<compile_context>
chip_gen: v7x
topology: tpu7x:2x2x1
jax: 0.10.2.dev20260603
libtpu: 0.0.44.dev20260713+nightly
codegen_flags: <defaults>
</compile_context>

<pallas_src>
import functools

import jax
import jax.numpy as jnp
from jax import lax
from jax.experimental import pallas as pl
from jax.experimental.pallas import tpu as pltpu
from jax.experimental.pallas import tpu_sc as plsc

N = 100000
D = 128
NC = 2
NS = 16
NW = NC * NS
ROWS_PER_W = 3125
S = 3136
CB = 128
SIZES = [CB] * 24 + [64]
OFFS = [CB * j for j in range(25)]
N_CHUNKS = len(SIZES)
NBUF = 7


def _body(idx_hbm, table_hbm, out_hbm, idx_v, table_v, *rest):
    bufs = rest[:NBUF]
    sem_g = rest[NBUF:2 * NBUF]
    sem_s = rest[2 * NBUF:]

    wid = lax.axis_index("s") * NC + lax.axis_index("c")
    base = jnp.minimum((wid * ROWS_PER_W) // 8 * 8, N - S)

    icp = pltpu.async_copy(idx_hbm.at[pl.ds(base, S)], idx_v, sem_g[1])

    @pl.when(lax.axis_index("s") == 0)
    def _copy_table():
        pltpu.async_copy(table_hbm, table_v, sem_g[0]).wait()

    plsc.subcore_barrier()
    icp.wait()

    gath = {}
    scat = {}

    def buf_dst(j):
        b = j % NBUF
        sz = SIZES[j]
        return bufs[b] if sz == CB else bufs[b].at[pl.ds(0, sz)]

    def start_gather(j):
        b = j % NBUF
        idx_ref = idx_v.at[pl.ds(OFFS[j], SIZES[j])]
        gath[j] = pltpu.async_copy(table_v.at[idx_ref], buf_dst(j), sem_g[b])

    for j in range(NBUF):
        start_gather(j)
    for j in range(N_CHUNKS):
        b = j % NBUF
        h = j + 1
        if NBUF <= h < N_CHUNKS:
            scat[h - NBUF].wait()
            start_gather(h)
        gath[j].wait()
        scat[j] = pltpu.async_copy(
            buf_dst(j), out_hbm.at[pl.ds(base + OFFS[j], SIZES[j])], sem_s[b])
    for j in range(N_CHUNKS - NBUF, N_CHUNKS):
        scat[j].wait()


@functools.partial(
    pl.kernel,
    mesh=plsc.VectorSubcoreMesh(core_axis_name="c", subcore_axis_name="s"),
    out_type=jax.ShapeDtypeStruct((N, D), jnp.float32),
    scratch_types=[pltpu.VMEM((S,), jnp.int32),
                   pltpu.VMEM_SHARED((100, D), jnp.float32)]
    + [pltpu.VMEM((CB, D), jnp.float32) for _ in range(NBUF)]
    + [pltpu.SemaphoreType.DMA for _ in range(2 * NBUF)],
)
def _embed_gather(idx_hbm, table_hbm, out_hbm, idx_v, table_v, *rest):
    _body(idx_hbm, table_hbm, out_hbm, idx_v, table_v, *rest)


def kernel(atomic_nums, embed_table):
    return _embed_gather(atomic_nums.astype(jnp.int32), embed_table)

# --- scband reference (transcript-rebuilt; emitter-appended) ---
"""Pipeline reference for scband-atom-embedding-47639777247681 (READ-ONLY COPY).

The authoritative reference and input builder live on the scoring server;
editing this copy changes nothing except your own understanding.
"""

import jax, jax.numpy as jnp
import numpy as np

MAX_ATOMIC_NUM = 100
EMBED_DIM = 128
N = 100000

def setup_inputs(seed: int = 0) -> dict:
    key = jax.random.key(seed)
    k_idx, k_tab = jax.random.split(key)
    atomic_nums = jax.random.randint(k_idx, (N,), 0, MAX_ATOMIC_NUM, dtype=jnp.int64 if jax.config.jax_enable_x64 else jnp.int32)
    embed_table = jax.random.normal(k_tab, (MAX_ATOMIC_NUM, EMBED_DIM), dtype=jnp.float32)
    return {"atomic_nums": atomic_nums, "embed_table": embed_table}

def reference(atomic_nums, embed_table):
    # nn.Embedding lookup: table[idx]
    return jnp.take(embed_table, atomic_nums, axis=0)

if __name__ == "__main__":
    import jax
    _d = setup_inputs()
    print(jax.jit(kernel)(*tuple(_d.values())))

</pallas_src>

<mosaic_0001>
#map = affine_map<(d0, d1) -> (0)>
#map1 = affine_map<(d0, d1) -> (0, 0)>
module attributes {stable_mosaic.version = 14 : i64} {
  func.func @_embed_gather(%arg0: i32, %arg1: i32, %arg2: memref<100000xi32, #tpu.memory_space<hbm>>, %arg3: memref<100x128xf32, #tpu.memory_space<hbm>>, %arg4: memref<100000x128xf32, #tpu.memory_space<hbm>>, %arg5: memref<3136xi32, #tpu.memory_space<vmem>>, %arg6: memref<100x128xf32, #tpu.memory_space<vmem_shared>>, %arg7: memref<128x128xf32, #tpu.memory_space<vmem>>, %arg8: memref<128x128xf32, #tpu.memory_space<vmem>>, %arg9: memref<128x128xf32, #tpu.memory_space<vmem>>, %arg10: memref<128x128xf32, #tpu.memory_space<vmem>>, %arg11: memref<128x128xf32, #tpu.memory_space<vmem>>, %arg12: memref<128x128xf32, #tpu.memory_space<vmem>>, %arg13: memref<128x128xf32, #tpu.memory_space<vmem>>, %arg14: memref<!tpu.dma_semaphore, #tpu.memory_space<semaphore_mem>>, %arg15: memref<!tpu.dma_semaphore, #tpu.memory_space<semaphore_mem>>, %arg16: memref<!tpu.dma_semaphore, #tpu.memory_space<semaphore_mem>>, %arg17: memref<!tpu.dma_semaphore, #tpu.memory_space<semaphore_mem>>, %arg18: memref<!tpu.dma_semaphore, #tpu.memory_space<semaphore_mem>>, %arg19: memref<!tpu.dma_semaphore, #tpu.memory_space<semaphore_mem>>, %arg20: memref<!tpu.dma_semaphore, #tpu.memory_space<semaphore_mem>>, %arg21: memref<!tpu.dma_semaphore, #tpu.memory_space<semaphore_mem>>, %arg22: memref<!tpu.dma_semaphore, #tpu.memory_space<semaphore_mem>>, %arg23: memref<!tpu.dma_semaphore, #tpu.memory_space<semaphore_mem>>, %arg24: memref<!tpu.dma_semaphore, #tpu.memory_space<semaphore_mem>>, %arg25: memref<!tpu.dma_semaphore, #tpu.memory_space<semaphore_mem>>, %arg26: memref<!tpu.dma_semaphore, #tpu.memory_space<semaphore_mem>>, %arg27: memref<!tpu.dma_semaphore, #tpu.memory_space<semaphore_mem>>) attributes {dimension_semantics = [#tpu.dimension_semantics<core_parallel>, #tpu.dimension_semantics<subcore_parallel>], iteration_bounds = array<i64: 2, 16>, scalar_prefetch = 0 : i64, scratch_operands = 23 : i64, tpu.core_type = #tpu.core_type<sc_vector_subcore>, window_params = [{transform_indices = #map}, {transform_indices = #map1}, {transform_indices = #map1}]} {
    %mul3A = arith.constant 2 : i32
    %mul3A_0 = arith.muli %arg1, %mul3A : i32
    %add3A = arith.addi %mul3A_0, %arg0 : i32
    %mul3A_1 = arith.constant 3125 : i32
    %mul3A_2 = arith.muli %add3A, %mul3A_1 : i32
    %jit3A = arith.constant 8 : i32
    %div3A = arith.divsi %mul3A_2, %jit3A : i32
    %sign3A = arith.constant 0 : i32
    %sign3A_3 = arith.cmpi sgt, %mul3A_2, %sign3A : i32
    %sign3A_4 = arith.extui %sign3A_3 : i1 to i32
    %sign3A_5 = arith.constant 0 : i32
    %sign3A_6 = arith.cmpi slt, %mul3A_2, %sign3A_5 : i32
    %sign3A_7 = arith.extui %sign3A_6 : i1 to i32
    %sign3A_8 = arith.subi %sign3A_4, %sign3A_7 : i32
    %sign3A_9 = arith.constant 0 : i32
    %sign3A_10 = arith.cmpi sgt, %jit3A, %sign3A_9 : i32
    %sign3A_11 = arith.extui %sign3A_10 : i1 to i32
    %sign3A_12 = arith.constant 0 : i32
    %sign3A_13 = arith.cmpi slt, %jit3A, %sign3A_12 : i32
    %sign3A_14 = arith.extui %sign3A_13 : i1 to i32
    %sign3A_15 = arith.subi %sign3A_11, %sign3A_14 : i32
    %ne3A = arith.cmpi ne, %sign3A_8, %sign3A_15 : i32
    %rem3A = arith.remsi %mul3A_2, %jit3A : i32
    %ne3A_16 = arith.constant 0 : i32
    %ne3A_17 = arith.cmpi ne, %rem3A, %ne3A_16 : i32
    %and3A = arith.andi %ne3A, %ne3A_17 : i1
    %sub3A = arith.constant 1 : i32
    %sub3A_18 = arith.subi %div3A, %sub3A : i32
    %select_n3A = arith.select %and3A, %sub3A_18, %div3A : i32
    %mul3A_19 = arith.constant 8 : i32
    %mul3A_20 = arith.muli %select_n3A, %mul3A_19 : i32
    %min3A = arith.constant 96864 : i32
    %min3A_21 = arith.minsi %mul3A_20, %min3A : i32
    %dma_start3A = tpu.memref_slice %arg2[%min3A_21] : memref<100000xi32, #tpu.memory_space<hbm>> -> memref<3136xi32, #tpu.memory_space<hbm>>
    %dma_start3A_22 = tpu.memref_slice %arg2[%min3A_21] : memref<100000xi32, #tpu.memory_space<hbm>> -> memref<3136xi32, #tpu.memory_space<hbm>>
    tpu.enqueue_dma source(%dma_start3A_22 : memref<3136xi32, #tpu.memory_space<hbm>>) target(%arg5 : memref<3136xi32, #tpu.memory_space<vmem>>) target_semaphore(%arg15 : memref<!tpu.dma_semaphore, #tpu.memory_space<semaphore_mem>>)
    %eq3A = arith.constant 0 : i32
    %eq3A_23 = arith.cmpi eq, %arg1, %eq3A : i32
    %convert_element_type3A = arith.extui %eq3A_23 : i1 to i32
    %cond3A = arith.constant 0 : i32
    %cond3A_24 = arith.cmpi ne, %convert_element_type3A, %cond3A : i32
    scf.if %cond3A_24 {
      tpu.enqueue_dma source(%arg3 : memref<100x128xf32, #tpu.memory_space<hbm>>) target(%arg6 : memref<100x128xf32, #tpu.memory_space<vmem_shared>>) target_semaphore(%arg14 : memref<!tpu.dma_semaphore, #tpu.memory_space<semaphore_mem>>)
      tpu.wait_dma2 semaphore(%arg14 : memref<!tpu.dma_semaphore, #tpu.memory_space<semaphore_mem>>) src(%arg3 : memref<100x128xf32, #tpu.memory_space<hbm>>) dst(%arg6 : memref<100x128xf32, #tpu.memory_space<vmem_shared>>)
    } else {
    }
    %barrier3A = arith.constant 0 : index
    tpu.barrier barrier_id(%barrier3A)
    %dma_wait3A = tpu.memref_slice %arg2[%min3A_21] : memref<100000xi32, #tpu.memory_space<hbm>> -> memref<3136xi32, #tpu.memory_space<hbm>>
    %dma_wait3A_25 = tpu.memref_slice %arg2[%min3A_21] : memref<100000xi32, #tpu.memory_space<hbm>> -> memref<3136xi32, #tpu.memory_space<hbm>>
    tpu.wait_dma2 semaphore(%arg15 : memref<!tpu.dma_semaphore, #tpu.memory_space<semaphore_mem>>) src(%dma_wait3A_25 : memref<3136xi32, #tpu.memory_space<hbm>>) dst(%arg5 : memref<3136xi32, #tpu.memory_space<vmem>>)
    %dma_start3A_26 = arith.constant 0 : i32
    %dma_start3A_27 = tpu.memref_slice %arg5[%dma_start3A_26] : memref<3136xi32, #tpu.memory_space<vmem>> -> memref<128xi32, #tpu.memory_space<vmem>>
    %dma_start3A_28 = arith.constant 0 : i32
    %dma_start3A_29 = arith.constant 0 : i32
    %dma_start3A_30 = tpu.memref_slice %arg6[%dma_start3A_28, %dma_start3A_29] : memref<100x128xf32, #tpu.memory_space<vmem_shared>> -> memref<100x128xf32, #tpu.memory_space<vmem_shared>>
    tpu.enqueue_indirect_dma source(%dma_start3A_30 : memref<100x128xf32, #tpu.memory_space<vmem_shared>>) target(%arg7 : memref<128x128xf32, #tpu.memory_space<vmem>>) offsets(%dma_start3A_27 : memref<128xi32, #tpu.memory_space<vmem>>) semaphore(%arg14 : memref<!tpu.dma_semaphore, #tpu.memory_space<semaphore_mem>>)
    %dma_start3A_31 = arith.constant 128 : i32
    %dma_start3A_32 = tpu.memref_slice %arg5[%dma_start3A_31] : memref<3136xi32, #tpu.memory_space<vmem>> -> memref<128xi32, #tpu.memory_space<vmem>>
    %dma_start3A_33 = arith.constant 0 : i32
    %dma_start3A_34 = arith.constant 0 : i32
    %dma_start3A_35 = tpu.memref_slice %arg6[%dma_start3A_33, %dma_start3A_34] : memref<100x128xf32, #tpu.memory_space<vmem_shared>> -> memref<100x128xf32, #tpu.memory_space<vmem_shared>>
    tpu.enqueue_indirect_dma source(%dma_start3A_35 : memref<100x128xf32, #tpu.memory_space<vmem_shared>>) target(%arg8 : memref<128x128xf32, #tpu.memory_space<vmem>>) offsets(%dma_start3A_32 : memref<128xi32, #tpu.memory_space<vmem>>) semaphore(%arg15 : memref<!tpu.dma_semaphore, #tpu.memory_space<semaphore_mem>>)
    %dma_start3A_36 = arith.constant 256 : i32
    %dma_start3A_37 = tpu.memref_slice %arg5[%dma_start3A_36] : memref<3136xi32, #tpu.memory_space<vmem>> -> memref<128xi32, #tpu.memory_space<vmem>>
    %dma_start3A_38 = arith.constant 0 : i32
    %dma_start3A_39 = arith.constant 0 : i32
    %dma_start3A_40 = tpu.memref_slice %arg6[%dma_start3A_38, %dma_start3A_39] : memref<100x128xf32, #tpu.memory_space<vmem_shared>> -> memref<100x128xf32, #tpu.memory_space<vmem_shared>>
    tpu.enqueue_indirect_dma source(%dma_start3A_40 : memref<100x128xf32, #tpu.memory_space<vmem_shared>>) target(%arg9 : memref<128x128xf32, #tpu.memory_space<vmem>>) offsets(%dma_start3A_37 : memref<128xi32, #tpu.memory_space<vmem>>) semaphore(%arg16 : memref<!tpu.dma_semaphore, #tpu.memory_space<semaphore_mem>>)
    %dma_start3A_41 = arith.constant 384 : i32
    %dma_start3A_42 = tpu.memref_slice %arg5[%dma_start3A_41] : memref<3136xi32, #tpu.memory_space<vmem>> -> memref<128xi32, #tpu.memory_space<vmem>>
    %dma_start3A_43 = arith.constant 0 : i32
    %dma_start3A_44 = arith.constant 0 : i32
    %dma_start3A_45 = tpu.memref_slice %arg6[%dma_start3A_43, %dma_start3A_44] : memref<100x128xf32, #tpu.memory_space<vmem_shared>> -> memref<100x128xf32, #tpu.memory_space<vmem_shared>>
    tpu.enqueue_indirect_dma source(%dma_start3A_45 : memref<100x128xf32, #tpu.memory_space<vmem_shared>>) target(%arg10 : memref<128x128xf32, #tpu.memory_space<vmem>>) offsets(%dma_start3A_42 : memref<128xi32, #tpu.memory_space<vmem>>) semaphore(%arg17 : memref<!tpu.dma_semaphore, #tpu.memory_space<semaphore_mem>>)
    %dma_start3A_46 = arith.constant 512 : i32
    %dma_start3A_47 = tpu.memref_slice %arg5[%dma_start3A_46] : memref<3136xi32, #tpu.memory_space<vmem>> -> memref<128xi32, #tpu.memory_space<vmem>>
    %dma_start3A_48 = arith.constant 0 : i32
    %dma_start3A_49 = arith.constant 0 : i32
    %dma_start3A_50 = tpu.memref_slice %arg6[%dma_start3A_48, %dma_start3A_49] : memref<100x128xf32, #tpu.memory_space<vmem_shared>> -> memref<100x128xf32, #tpu.memory_space<vmem_shared>>
    tpu.enqueue_indirect_dma source(%dma_start3A_50 : memref<100x128xf32, #tpu.memory_space<vmem_shared>>) target(%arg11 : memref<128x128xf32, #tpu.memory_space<vmem>>) offsets(%dma_start3A_47 : memref<128xi32, #tpu.memory_space<vmem>>) semaphore(%arg18 : memref<!tpu.dma_semaphore, #tpu.memory_space<semaphore_mem>>)
    %dma_start3A_51 = arith.constant 640 : i32
    %dma_start3A_52 = tpu.memref_slice %arg5[%dma_start3A_51] : memref<3136xi32, #tpu.memory_space<vmem>> -> memref<128xi32, #tpu.memory_space<vmem>>
    %dma_start3A_53 = arith.constant 0 : i32
    %dma_start3A_54 = arith.constant 0 : i32
    %dma_start3A_55 = tpu.memref_slice %arg6[%dma_start3A_53, %dma_start3A_54] : memref<100x128xf32, #tpu.memory_space<vmem_shared>> -> memref<100x128xf32, #tpu.memory_space<vmem_shared>>
    tpu.enqueue_indirect_dma source(%dma_start3A_55 : memref<100x128xf32, #tpu.memory_space<vmem_shared>>) target(%arg12 : memref<128x128xf32, #tpu.memory_space<vmem>>) offsets(%dma_start3A_52 : memref<128xi32, #tpu.memory_space<vmem>>) semaphore(%arg19 : memref<!tpu.dma_semaphore, #tpu.memory_space<semaphore_mem>>)
    %dma_start3A_56 = arith.constant 768 : i32
    %dma_start3A_57 = tpu.memref_slice %arg5[%dma_start3A_56] : memref<3136xi32, #tpu.memory_space<vmem>> -> memref<128xi32, #tpu.memory_space<vmem>>
    %dma_start3A_58 = arith.constant 0 : i32
    %dma_start3A_59 = arith.constant 0 : i32
    %dma_start3A_60 = tpu.memref_slice %arg6[%dma_start3A_58, %dma_start3A_59] : memref<100x128xf32, #tpu.memory_space<vmem_shared>> -> memref<100x128xf32, #tpu.memory_space<vmem_shared>>
    tpu.enqueue_indirect_dma source(%dma_start3A_60 : memref<100x128xf32, #tpu.memory_space<vmem_shared>>) target(%arg13 : memref<128x128xf32, #tpu.memory_space<vmem>>) offsets(%dma_start3A_57 : memref<128xi32, #tpu.memory_space<vmem>>) semaphore(%arg20 : memref<!tpu.dma_semaphore, #tpu.memory_space<semaphore_mem>>)
    %dma_wait3A_61 = arith.constant 0 : i32
    %dma_wait3A_62 = tpu.memref_slice %arg5[%dma_wait3A_61] : memref<3136xi32, #tpu.memory_space<vmem>> -> memref<128xi32, #tpu.memory_space<vmem>>
    %dma_wait3A_63 = arith.constant 0 : i32
    %dma_wait3A_64 = arith.constant 0 : i32
    %dma_wait3A_65 = tpu.memref_slice %arg6[%dma_wait3A_63, %dma_wait3A_64] : memref<100x128xf32, #tpu.memory_space<vmem_shared>> -> memref<100x128xf32, #tpu.memory_space<vmem_shared>>
    tpu.wait_indirect_dma semaphore(%arg14 : memref<!tpu.dma_semaphore, #tpu.memory_space<semaphore_mem>>) src(%dma_wait3A_65 : memref<100x128xf32, #tpu.memory_space<vmem_shared>>) dst(%arg7 : memref<128x128xf32, #tpu.memory_space<vmem>>)
    %add3A_66 = arith.constant 0 : i32
    %add3A_67 = arith.addi %min3A_21, %add3A_66 : i32
    %dma_start3A_68 = arith.constant 0 : i32
    %dma_start3A_69 = tpu.memref_slice %arg4[%add3A_67, %dma_start3A_68] : memref<100000x128xf32, #tpu.memory_space<hbm>> -> memref<128x128xf32, #tpu.memory_space<hbm>>
    %dma_start3A_70 = arith.constant 0 : i32
    %dma_start3A_71 = tpu.memref_slice %arg4[%add3A_67, %dma_start3A_70] : memref<100000x128xf32, #tpu.memory_space<hbm>> -> memref<128x128xf32, #tpu.memory_space<hbm>>
    tpu.enqueue_dma source(%arg7 : memref<128x128xf32, #tpu.memory_space<vmem>>) target(%dma_start3A_71 : memref<128x128xf32, #tpu.memory_space<hbm>>) target_semaphore(%arg21 : memref<!tpu.dma_semaphore, #tpu.memory_space<semaphore_mem>>)
    %dma_wait3A_72 = arith.constant 128 : i32
    %dma_wait3A_73 = tpu.memref_slice %arg5[%dma_wait3A_72] : memref<3136xi32, #tpu.memory_space<vmem>> -> memref<128xi32, #tpu.memory_space<vmem>>
    %dma_wait3A_74 = arith.constant 0 : i32
    %dma_wait3A_75 = arith.constant 0 : i32
    %dma_wait3A_76 = tpu.memref_slice %arg6[%dma_wait3A_74, %dma_wait3A_75] : memref<100x128xf32, #tpu.memory_space<vmem_shared>> -> memref<100x128xf32, #tpu.memory_space<vmem_shared>>
    tpu.wait_indirect_dma semaphore(%arg15 : memref<!tpu.dma_semaphore, #tpu.memory_space<semaphore_mem>>) src(%dma_wait3A_76 : memref<100x128xf32, #tpu.memory_space<vmem_shared>>) dst(%arg8 : memref<128x128xf32, #tpu.memory_space<vmem>>)
    %add3A_77 = arith.constant 128 : i32
    %add3A_78 = arith.addi %min3A_21, %add3A_77 : i32
    %dma_start3A_79 = arith.constant 0 : i32
    %dma_start3A_80 = tpu.memref_slice %arg4[%add3A_78, %dma_start3A_79] : memref<100000x128xf32, #tpu.memory_space<hbm>> -> memref<128x128xf32, #tpu.memory_space<hbm>>
    %dma_start3A_81 = arith.constant 0 : i32
    %dma_start3A_82 = tpu.memref_slice %arg4[%add3A_78, %dma_start3A_81] : memref<100000x128xf32, #tpu.memory_space<hbm>> -> memref<128x128xf32, #tpu.memory_space<hbm>>
    tpu.enqueue_dma source(%arg8 : memref<128x128xf32, #tpu.memory_space<vmem>>) target(%dma_start3A_82 : memref<128x128xf32, #tpu.memory_space<hbm>>) target_semaphore(%arg22 : memref<!tpu.dma_semaphore, #tpu.memory_space<semaphore_mem>>)
    %dma_wait3A_83 = arith.constant 256 : i32
    %dma_wait3A_84 = tpu.memref_slice %arg5[%dma_wait3A_83] : memref<3136xi32, #tpu.memory_space<vmem>> -> memref<128xi32, #tpu.memory_space<vmem>>
    %dma_wait3A_85 = arith.constant 0 : i32
    %dma_wait3A_86 = arith.constant 0 : i32
    %dma_wait3A_87 = tpu.memref_slice %arg6[%dma_wait3A_85, %dma_wait3A_86] : memref<100x128xf32, #tpu.memory_space<vmem_shared>> -> memref<100x128xf32, #tpu.memory_space<vmem_shared>>
    tpu.wait_indirect_dma semaphore(%arg16 : memref<!tpu.dma_semaphore, #tpu.memory_space<semaphore_mem>>) src(%dma_wait3A_87 : memref<100x128xf32, #tpu.memory_space<vmem_shared>>) dst(%arg9 : memref<128x128xf32, #tpu.memory_space<vmem>>)
    %add3A_88 = arith.constant 256 : i32
    %add3A_89 = arith.addi %min3A_21, %add3A_88 : i32
    %dma_start3A_90 = arith.constant 0 : i32
    %dma_start3A_91 = tpu.memref_slice %arg4[%add3A_89, %dma_start3A_90] : memref<100000x128xf32, #tpu.memory_space<hbm>> -> memref<128x128xf32, #tpu.memory_space<hbm>>
    %dma_start3A_92 = arith.constant 0 : i32
    %dma_start3A_93 = tpu.memref_slice %arg4[%add3A_89, %dma_start3A_92] : memref<100000x128xf32, #tpu.memory_space<hbm>> -> memref<128x128xf32, #tpu.memory_space<hbm>>
    tpu.enqueue_dma source(%arg9 : memref<128x128xf32, #tpu.memory_space<vmem>>) target(%dma_start3A_93 : memref<128x128xf32, #tpu.memory_space<hbm>>) target_semaphore(%arg23 : memref<!tpu.dma_semaphore, #tpu.memory_space<semaphore_mem>>)
    %dma_wait3A_94 = arith.constant 384 : i32
    %dma_wait3A_95 = tpu.memref_slice %arg5[%dma_wait3A_94] : memref<3136xi32, #tpu.memory_space<vmem>> -> memref<128xi32, #tpu.memory_space<vmem>>
    %dma_wait3A_96 = arith.constant 0 : i32
    %dma_wait3A_97 = arith.constant 0 : i32
    %dma_wait3A_98 = tpu.memref_slice %arg6[%dma_wait3A_96, %dma_wait3A_97] : memref<100x128xf32, #tpu.memory_space<vmem_shared>> -> memref<100x128xf32, #tpu.memory_space<vmem_shared>>
    tpu.wait_indirect_dma semaphore(%arg17 : memref<!tpu.dma_semaphore, #tpu.memory_space<semaphore_mem>>) src(%dma_wait3A_98 : memref<100x128xf32, #tpu.memory_space<vmem_shared>>) dst(%arg10 : memref<128x128xf32, #tpu.memory_space<vmem>>)
    %add3A_99 = arith.constant 384 : i32
    %add3A_100 = arith.addi %min3A_21, %add3A_99 : i32
    %dma_start3A_101 = arith.constant 0 : i32
    %dma_start3A_102 = tpu.memref_slice %arg4[%add3A_100, %dma_start3A_101] : memref<100000x128xf32, #tpu.memory_space<hbm>> -> memref<128x128xf32, #tpu.memory_space<hbm>>
    %dma_start3A_103 = arith.constant 0 : i32
    %dma_start3A_104 = tpu.memref_slice %arg4[%add3A_100, %dma_start3A_103] : memref<100000x128xf32, #tpu.memory_space<hbm>> -> memref<128x128xf32, #tpu.memory_space<hbm>>
    tpu.enqueue_dma source(%arg10 : memref<128x128xf32, #tpu.memory_space<vmem>>) target(%dma_start3A_104 : memref<128x128xf32, #tpu.memory_space<hbm>>) target_semaphore(%arg24 : memref<!tpu.dma_semaphore, #tpu.memory_space<semaphore_mem>>)
    %dma_wait3A_105 = arith.constant 512 : i32
    %dma_wait3A_106 = tpu.memref_slice %arg5[%dma_wait3A_105] : memref<3136xi32, #tpu.memory_space<vmem>> -> memref<128xi32, #tpu.memory_space<vmem>>
    %dma_wait3A_107 = arith.constant 0 : i32
    %dma_wait3A_108 = arith.constant 0 : i32
    %dma_wait3A_109 = tpu.memref_slice %arg6[%dma_wait3A_107, %dma_wait3A_108] : memref<100x128xf32, #tpu.memory_space<vmem_shared>> -> memref<100x128xf32, #tpu.memory_space<vmem_shared>>
    tpu.wait_indirect_dma semaphore(%arg18 : memref<!tpu.dma_semaphore, #tpu.memory_space<semaphore_mem>>) src(%dma_wait3A_109 : memref<100x128xf32, #tpu.memory_space<vmem_shared>>) dst(%arg11 : memref<128x128xf32, #tpu.memory_space<vmem>>)
    %add3A_110 = arith.constant 512 : i32
    %add3A_111 = arith.addi %min3A_21, %add3A_110 : i32
    %dma_start3A_112 = arith.constant 0 : i32
    %dma_start3A_113 = tpu.memref_slice %arg4[%add3A_111, %dma_start3A_112] : memref<100000x128xf32, #tpu.memory_space<hbm>> -> memref<128x128xf32, #tpu.memory_space<hbm>>
    %dma_start3A_114 = arith.constant 0 : i32
    %dma_start3A_115 = tpu.memref_slice %arg4[%add3A_111, %dma_start3A_114] : memref<100000x128xf32, #tpu.memory_space<hbm>> -> memref<128x128xf32, #tpu.memory_space<hbm>>
    tpu.enqueue_dma source(%arg11 : memref<128x128xf32, #tpu.memory_space<vmem>>) target(%dma_start3A_115 : memref<128x128xf32, #tpu.memory_space<hbm>>) target_semaphore(%arg25 : memref<!tpu.dma_semaphore, #tpu.memory_space<semaphore_mem>>)
    %dma_wait3A_116 = arith.constant 640 : i32
    %dma_wait3A_117 = tpu.memref_slice %arg5[%dma_wait3A_116] : memref<3136xi32, #tpu.memory_space<vmem>> -> memref<128xi32, #tpu.memory_space<vmem>>
    %dma_wait3A_118 = arith.constant 0 : i32
    %dma_wait3A_119 = arith.constant 0 : i32
    %dma_wait3A_120 = tpu.memref_slice %arg6[%dma_wait3A_118, %dma_wait3A_119] : memref<100x128xf32, #tpu.memory_space<vmem_shared>> -> memref<100x128xf32, #tpu.memory_space<vmem_shared>>
    tpu.wait_indirect_dma semaphore(%arg19 : memref<!tpu.dma_semaphore, #tpu.memory_space<semaphore_mem>>) src(%dma_wait3A_120 : memref<100x128xf32, #tpu.memory_space<vmem_shared>>) dst(%arg12 : memref<128x128xf32, #tpu.memory_space<vmem>>)
    %add3A_121 = arith.constant 640 : i32
    %add3A_122 = arith.addi %min3A_21, %add3A_121 : i32
    %dma_start3A_123 = arith.constant 0 : i32
    %dma_start3A_124 = tpu.memref_slice %arg4[%add3A_122, %dma_start3A_123] : memref<100000x128xf32, #tpu.memory_space<hbm>> -> memref<128x128xf32, #tpu.memory_space<hbm>>
    %dma_start3A_125 = arith.constant 0 : i32
    %dma_start3A_126 = tpu.memref_slice %arg4[%add3A_122, %dma_start3A_125] : memref<100000x128xf32, #tpu.memory_space<hbm>> -> memref<128x128xf32, #tpu.memory_space<hbm>>
    tpu.enqueue_dma source(%arg12 : memref<128x128xf32, #tpu.memory_space<vmem>>) target(%dma_start3A_126 : memref<128x128xf32, #tpu.memory_space<hbm>>) target_semaphore(%arg26 : memref<!tpu.dma_semaphore, #tpu.memory_space<semaphore_mem>>)
    %dma_wait3A_127 = arith.constant 0 : i32
    %dma_wait3A_128 = tpu.memref_slice %arg4[%add3A_67, %dma_wait3A_127] : memref<100000x128xf32, #tpu.memory_space<hbm>> -> memref<128x128xf32, #tpu.memory_space<hbm>>
    %dma_wait3A_129 = arith.constant 0 : i32
    %dma_wait3A_130 = tpu.memref_slice %arg4[%add3A_67, %dma_wait3A_129] : memref<100000x128xf32, #tpu.memory_space<hbm>> -> memref<128x128xf32, #tpu.memory_space<hbm>>
    tpu.wait_dma2 semaphore(%arg21 : memref<!tpu.dma_semaphore, #tpu.memory_space<semaphore_mem>>) src(%arg7 : memref<128x128xf32, #tpu.memory_space<vmem>>) dst(%dma_wait3A_130 : memref<128x128xf32, #tpu.memory_space<hbm>>)
    %dma_start3A_131 = arith.constant 896 : i32
    %dma_start3A_132 = tpu.memref_slice %arg5[%dma_start3A_131] : memref<3136xi32, #tpu.memory_space<vmem>> -> memref<128xi32, #tpu.memory_space<vmem>>
    %dma_start3A_133 = arith.constant 0 : i32
    %dma_start3A_134 = arith.constant 0 : i32
    %dma_start3A_135 = tpu.memref_slice %arg6[%dma_start3A_133, %dma_start3A_134] : memref<100x128xf32, #tpu.memory_space<vmem_shared>> -> memref<100x128xf32, #tpu.memory_space<vmem_shared>>
    tpu.enqueue_indirect_dma source(%dma_start3A_135 : memref<100x128xf32, #tpu.memory_space<vmem_shared>>) target(%arg7 : memref<128x128xf32, #tpu.memory_space<vmem>>) offsets(%dma_start3A_132 : memref<128xi32, #tpu.memory_space<vmem>>) semaphore(%arg14 : memref<!tpu.dma_semaphore, #tpu.memory_space<semaphore_mem>>)
    %dma_wait3A_136 = arith.constant 768 : i32
    %dma_wait3A_137 = tpu.memref_slice %arg5[%dma_wait3A_136] : memref<3136xi32, #tpu.memory_space<vmem>> -> memref<128xi32, #tpu.memory_space<vmem>>
    %dma_wait3A_138 = arith.constant 0 : i32
    %dma_wait3A_139 = arith.constant 0 : i32
    %dma_wait3A_140 = tpu.memref_slice %arg6[%dma_wait3A_138, %dma_wait3A_139] : memref<100x128xf32, #tpu.memory_space<vmem_shared>> -> memref<100x128xf32, #tpu.memory_space<vmem_shared>>
    tpu.wait_indirect_dma semaphore(%arg20 : memref<!tpu.dma_semaphore, #tpu.memory_space<semaphore_mem>>) src(%dma_wait3A_140 : memref<100x128xf32, #tpu.memory_space<vmem_shared>>) dst(%arg13 : memref<128x128xf32, #tpu.memory_space<vmem>>)
    %add3A_141 = arith.constant 768 : i32
    %add3A_142 = arith.addi %min3A_21, %add3A_141 : i32
    %dma_start3A_143 = arith.constant 0 : i32
    %dma_start3A_144 = tpu.memref_slice %arg4[%add3A_142, %dma_start3A_143] : memref<100000x128xf32, #tpu.memory_space<hbm>> -> memref<128x128xf32, #tpu.memory_space<hbm>>
    %dma_start3A_145 = arith.constant 0 : i32
    %dma_start3A_146 = tpu.memref_slice %arg4[%add3A_142, %dma_start3A_145] : memref<100000x128xf32, #tpu.memory_space<hbm>> -> memref<128x128xf32, #tpu.memory_space<hbm>>
    tpu.enqueue_dma source(%arg13 : memref<128x128xf32, #tpu.memory_space<vmem>>) target(%dma_start3A_146 : memref<128x128xf32, #tpu.memory_space<hbm>>) target_semaphore(%arg27 : memref<!tpu.dma_semaphore, #tpu.memory_space<semaphore_mem>>)
    %dma_wait3A_147 = arith.constant 0 : i32
    %dma_wait3A_148 = tpu.memref_slice %arg4[%add3A_78, %dma_wait3A_147] : memref<100000x128xf32, #tpu.memory_space<hbm>> -> memref<128x128xf32, #tpu.memory_space<hbm>>
    %dma_wait3A_149 = arith.constant 0 : i32
    %dma_wait3A_150 = tpu.memref_slice %arg4[%add3A_78, %dma_wait3A_149] : memref<100000x128xf32, #tpu.memory_space<hbm>> -> memref<128x128xf32, #tpu.memory_space<hbm>>
    tpu.wait_dma2 semaphore(%arg22 : memref<!tpu.dma_semaphore, #tpu.memory_space<semaphore_mem>>) src(%arg8 : memref<128x128xf32, #tpu.memory_space<vmem>>) dst(%dma_wait3A_150 : memref<128x128xf32, #tpu.memory_space<hbm>>)
    %dma_start3A_151 = arith.constant 1024 : i32
    %dma_start3A_152 = tpu.memref_slice %arg5[%dma_start3A_151] : memref<3136xi32, #tpu.memory_space<vmem>> -> memref<128xi32, #tpu.memory_space<vmem>>
    %dma_start3A_153 = arith.constant 0 : i32
    %dma_start3A_154 = arith.constant 0 : i32
    %dma_start3A_155 = tpu.memref_slice %arg6[%dma_start3A_153, %dma_start3A_154] : memref<100x128xf32, #tpu.memory_space<vmem_shared>> -> memref<100x128xf32, #tpu.memory_space<vmem_shared>>
    tpu.enqueue_indirect_dma source(%dma_start3A_155 : memref<100x128xf32, #tpu.memory_space<vmem_shared>>) target(%arg8 : memref<128x128xf32, #tpu.memory_space<vmem>>) offsets(%dma_start3A_152 : memref<128xi32, #tpu.memory_space<vmem>>) semaphore(%arg15 : memref<!tpu.dma_semaphore, #tpu.memory_space<semaphore_mem>>)
    %dma_wait3A_156 = arith.constant 896 : i32
    %dma_wait3A_157 = tpu.memref_slice %arg5[%dma_wait3A_156] : memref<3136xi32, #tpu.memory_space<vmem>> -> memref<128xi32, #tpu.memory_space<vmem>>
    %dma_wait3A_158 = arith.constant 0 : i32
    %dma_wait3A_159 = arith.constant 0 : i32
    %dma_wait3A_160 = tpu.memref_slice %arg6[%dma_wait3A_158, %dma_wait3A_159] : memref<100x128xf32, #tpu.memory_space<vmem_shared>> -> memref<100x128xf32, #tpu.memory_space<vmem_shared>>
    tpu.wait_indirect_dma semaphore(%arg14 : memref<!tpu.dma_semaphore, #tpu.memory_space<semaphore_mem>>) src(%dma_wait3A_160 : memref<100x128xf32, #tpu.memory_space<vmem_shared>>) dst(%arg7 : memref<128x128xf32, #tpu.memory_space<vmem>>)
    %add3A_161 = arith.constant 896 : i32
    %add3A_162 = arith.addi %min3A_21, %add3A_161 : i32
    %dma_start3A_163 = arith.constant 0 : i32
    %dma_start3A_164 = tpu.memref_slice %arg4[%add3A_162, %dma_start3A_163] : memref<100000x128xf32, #tpu.memory_space<hbm>> -> memref<128x128xf32, #tpu.memory_space<hbm>>
    %dma_start3A_165 = arith.constant 0 : i32
    %dma_start3A_166 = tpu.memref_slice %arg4[%add3A_162, %dma_start3A_165] : memref<100000x128xf32, #tpu.memory_space<hbm>> -> memref<128x128xf32, #tpu.memory_space<hbm>>
    tpu.enqueue_dma source(%arg7 : memref<128x128xf32, #tpu.memory_space<vmem>>) target(%dma_start3A_166 : memref<128x128xf32, #tpu.memory_space<hbm>>) target_semaphore(%arg21 : memref<!tpu.dma_semaphore, #tpu.memory_space<semaphore_mem>>)
    %dma_wait3A_167 = arith.constant 0 : i32
    %dma_wait3A_168 = tpu.memref_slice %arg4[%add3A_89, %dma_wait3A_167] : memref<100000x128xf32, #tpu.memory_space<hbm>> -> memref<128x128xf32, #tpu.memory_space<hbm>>
    %dma_wait3A_169 = arith.constant 0 : i32
    %dma_wait3A_170 = tpu.memref_slice %arg4[%add3A_89, %dma_wait3A_169] : memref<100000x128xf32, #tpu.memory_space<hbm>> -> memref<128x128xf32, #tpu.memory_space<hbm>>
    tpu.wait_dma2 semaphore(%arg23 : memref<!tpu.dma_semaphore, #tpu.memory_space<semaphore_mem>>) src(%arg9 : memref<128x128xf32, #tpu.memory_space<vmem>>) dst(%dma_wait3A_170 : memref<128x128xf32, #tpu.memory_space<hbm>>)
    %dma_start3A_171 = arith.constant 1152 : i32
    %dma_start3A_172 = tpu.memref_slice %arg5[%dma_start3A_171] : memref<3136xi32, #tpu.memory_space<vmem>> -> memref<128xi32, #tpu.memory_space<vmem>>
    %dma_start3A_173 = arith.constant 0 : i32
    %dma_start3A_174 = arith.constant 0 : i32
    %dma_start3A_175 = tpu.memref_slice %arg6[%dma_start3A_173, %dma_start3A_174] : memref<100x128xf32, #tpu.memory_space<vmem_shared>> -> memref<100x128xf32, #tpu.memory_space<vmem_shared>>
    tpu.enqueue_indirect_dma source(%dma_start3A_175 : memref<100x128xf32, #tpu.memory_space<vmem_shared>>) target(%arg9 : memref<128x128xf32, #tpu.memory_space<vmem>>) offsets(%dma_start3A_172 : memref<128xi32, #tpu.memory_space<vmem>>) semaphore(%arg16 : memref<!tpu.dma_semaphore, #tpu.memory_space<semaphore_mem>>)
    %dma_wait3A_176 = arith.constant 1024 : i32
    %dma_wait3A_177 = tpu.memref_slice %arg5[%dma_wait3A_176] : memref<3136xi32, #tpu.memory_space<vmem>> -> memref<128xi32, #tpu.memory_space<vmem>>
    %dma_wait3A_178 = arith.constant 0 : i32
    %dma_wait3A_179 = arith.constant 0 : i32
    %dma_wait3A_180 = tpu.memref_slice %arg6[%dma_wait3A_178, %dma_wait3A_179] : memref<100x128xf32, #tpu.memory_space<vmem_shared>> -> memref<100x128xf32, #tpu.memory_space<vmem_shared>>
    tpu.wait_indirect_dma semaphore(%arg15 : memref<!tpu.dma_semaphore, #tpu.memory_space<semaphore_mem>>) src(%dma_wait3A_180 : memref<100x128xf32, #tpu.memory_space<vmem_shared>>) dst(%arg8 : memref<128x128xf32, #tpu.memory_space<vmem>>)
    %add3A_181 = arith.constant 1024 : i32
    %add3A_182 = arith.addi %min3A_21, %add3A_181 : i32
    %dma_start3A_183 = arith.constant 0 : i32
    %dma_start3A_184 = tpu.memref_slice %arg4[%add3A_182, %dma_start3A_183] : memref<100000x128xf32, #tpu.memory_space<hbm>> -> memref<128x128xf32, #tpu.memory_space<hbm>>
    %dma_start3A_185 = arith.constant 0 : i32
    %dma_start3A_186 = tpu.memref_slice %arg4[%add3A_182, %dma_start3A_185] : memref<100000x128xf32, #tpu.memory_space<hbm>> -> memref<128x128xf32, #tpu.memory_space<hbm>>
    tpu.enqueue_dma source(%arg8 : memref<128x128xf32, #tpu.memory_space<vmem>>) target(%dma_start3A_186 : memref<128x128xf32, #tpu.memory_space<hbm>>) target_semaphore(%arg22 : memref<!tpu.dma_semaphore, #tpu.memory_space<semaphore_mem>>)
    %dma_wait3A_187 = arith.constant 0 : i32
    %dma_wait3A_188 = tpu.memref_slice %arg4[%add3A_100, %dma_wait3A_187] : memref<100000x128xf32, #tpu.memory_space<hbm>> -> memref<128x128xf32, #tpu.memory_space<hbm>>
    %dma_wait3A_189 = arith.constant 0 : i32
    %dma_wait3A_190 = tpu.memref_slice %arg4[%add3A_100, %dma_wait3A_189] : memref<100000x128xf32, #tpu.memory_space<hbm>> -> memref<128x128xf32, #tpu.memory_space<hbm>>
    tpu.wait_dma2 semaphore(%arg24 : memref<!tpu.dma_semaphore, #tpu.memory_space<semaphore_mem>>) src(%arg10 : memref<128x128xf32, #tpu.memory_space<vmem>>) dst(%dma_wait3A_190 : memref<128x128xf32, #tpu.memory_space<hbm>>)
    %dma_start3A_191 = arith.constant 1280 : i32
    %dma_start3A_192 = tpu.memref_slice %arg5[%dma_start3A_191] : memref<3136xi32, #tpu.memory_space<vmem>> -> memref<128xi32, #tpu.memory_space<vmem>>
    %dma_start3A_193 = arith.constant 0 : i32
    %dma_start3A_194 = arith.constant 0 : i32
    %dma_start3A_195 = tpu.memref_slice %arg6[%dma_start3A_193, %dma_start3A_194] : memref<100x128xf32, #tpu.memory_space<vmem_shared>> -> memref<100x128xf32, #tpu.memory_space<vmem_shared>>
    tpu.enqueue_indirect_dma source(%dma_start3A_195 : memref<100x128xf32, #tpu.memory_space<vmem_shared>>) target(%arg10 : memref<128x128xf32, #tpu.memory_space<vmem>>) offsets(%dma_start3A_192 : memref<128xi32, #tpu.memory_space<vmem>>) semaphore(%arg17 : memref<!tpu.dma_semaphore, #tpu.memory_space<semaphore_mem>>)
    %dma_wait3A_196 = arith.constant 1152 : i32
    %dma_wait3A_197 = tpu.memref_slice %arg5[%dma_wait3A_196] : memref<3136xi32, #tpu.memory_space<vmem>> -> memref<128xi32, #tpu.memory_space<vmem>>
    %dma_wait3A_198 = arith.constant 0 : i32
    %dma_wait3A_199 = arith.constant 0 : i32
    %dma_wait3A_200 = tpu.memref_slice %arg6[%dma_wait3A_198, %dma_wait3A_199] : memref<100x128xf32, #tpu.memory_space<vmem_shared>> -> memref<100x128xf32, #tpu.memory_space<vmem_shared>>
    tpu.wait_indirect_dma semaphore(%arg16 : memref<!tpu.dma_semaphore, #tpu.memory_space<semaphore_mem>>) src(%dma_wait3A_200 : memref<100x128xf32, #tpu.memory_space<vmem_shared>>) dst(%arg9 : memref<128x128xf32, #tpu.memory_space<vmem>>)
    %add3A_201 = arith.constant 1152 : i32
    %add3A_202 = arith.addi %min3A_21, %add3A_201 : i32
    %dma_start3A_203 = arith.constant 0 : i32
    %dma_start3A_204 = tpu.memref_slice %arg4[%add3A_202, %dma_start3A_203] : memref<100000x128xf32, #tpu.memory_space<hbm>> -> memref<128x128xf32, #tpu.memory_space<hbm>>
    %dma_start3A_205 = arith.constant 0 : i32
    %dma_start3A_206 = tpu.memref_slice %arg4[%add3A_202, %dma_start3A_205] : memref<100000x128xf32, #tpu.memory_space<hbm>> -> memref<128x128xf32, #tpu.memory_space<hbm>>
    tpu.enqueue_dma source(%arg9 : memref<128x128xf32, #tpu.memory_space<vmem>>) target(%dma_start3A_206 : memref<128x128xf32, #tpu.memory_space<hbm>>) target_semaphore(%arg23 : memref<!tpu.dma_semaphore, #tpu.memory_space<semaphore_mem>>)
    %dma_wait3A_207 = arith.constant 0 : i32
    %dma_wait3A_208 = tpu.memref_slice %arg4[%add3A_111, %dma_wait3A_207] : memref<100000x128xf32, #tpu.memory_space<hbm>> -> memref<128x128xf32, #tpu.memory_space<hbm>>
    %dma_wait3A_209 = arith.constant 0 : i32
    %dma_wait3A_210 = tpu.memref_slice %arg4[%add3A_111, %dma_wait3A_209] : memref<100000x128xf32, #tpu.memory_space<hbm>> -> memref<128x128xf32, #tpu.memory_space<hbm>>
    tpu.wait_dma2 semaphore(%arg25 : memref<!tpu.dma_semaphore, #tpu.memory_space<semaphore_mem>>) src(%arg11 : memref<128x128xf32, #tpu.memory_space<vmem>>) dst(%dma_wait3A_210 : memref<128x128xf32, #tpu.memory_space<hbm>>)
    %dma_start3A_211 = arith.constant 1408 : i32
    %dma_start3A_212 = tpu.memref_slice %arg5[%dma_start3A_211] : memref<3136xi32, #tpu.memory_space<vmem>> -> memref<128xi32, #tpu.memory_space<vmem>>
    %dma_start3A_213 = arith.constant 0 : i32
    %dma_start3A_214 = arith.constant 0 : i32
    %dma_start3A_215 = tpu.memref_slice %arg6[%dma_start3A_213, %dma_start3A_214] : memref<100x128xf32, #tpu.memory_space<vmem_shared>> -> memref<100x128xf32, #tpu.memory_space<vmem_shared>>
    tpu.enqueue_indirect_dma source(%dma_start3A_215 : memref<100x128xf32, #tpu.memory_space<vmem_shared>>) target(%arg11 : memref<128x128xf32, #tpu.memory_space<vmem>>) offsets(%dma_start3A_212 : memref<128xi32, #tpu.memory_space<vmem>>) semaphore(%arg18 : memref<!tpu.dma_semaphore, #tpu.memory_space<semaphore_mem>>)
    %dma_wait3A_216 = arith.constant 1280 : i32
    %dma_wait3A_217 = tpu.memref_slice %arg5[%dma_wait3A_216] : memref<3136xi32, #tpu.memory_space<vmem>> -> memref<128xi32, #tpu.memory_space<vmem>>
    %dma_wait3A_218 = arith.constant 0 : i32
    %dma_wait3A_219 = arith.constant 0 : i32
    %dma_wait3A_220 = tpu.memref_slice %arg6[%dma_wait3A_218, %dma_wait3A_219] : memref<100x128xf32, #tpu.memory_space<vmem_shared>> -> memref<100x128xf32, #tpu.memory_space<vmem_shared>>
    tpu.wait_indirect_dma semaphore(%arg17 : memref<!tpu.dma_semaphore, #tpu.memory_space<semaphore_mem>>) src(%dma_wait3A_220 : memref<100x128xf32, #tpu.memory_space<vmem_shared>>) dst(%arg10 : memref<128x128xf32, #tpu.memory_space<vmem>>)
    %add3A_221 = arith.constant 1280 : i32
    %add3A_222 = arith.addi %min3A_21, %add3A_221 : i32
    %dma_start3A_223 = arith.constant 0 : i32
    %dma_start3A_224 = tpu.memref_slice %arg4[%add3A_222, %dma_start3A_223] : memref<100000x128xf32, #tpu.memory_space<hbm>> -> memref<128x128xf32, #tpu.memory_space<hbm>>
    %dma_start3A_225 = arith.constant 0 : i32
    %dma_start3A_226 = tpu.memref_slice %arg4[%add3A_222, %dma_start3A_225] : memref<100000x128xf32, #tpu.memory_space<hbm>> -> memref<128x128xf32, #tpu.memory_space<hbm>>
    tpu.enqueue_dma source(%arg10 : memref<128x128xf32, #tpu.memory_space<vmem>>) target(%dma_start3A_226 : memref<128x128xf32, #tpu.memory_space<hbm>>) target_semaphore(%arg24 : memref<!tpu.dma_semaphore, #tpu.memory_space<semaphore_mem>>)
    %dma_wait3A_227 = arith.constant 0 : i32
    %dma_wait3A_228 = tpu.memref_slice %arg4[%add3A_122, %dma_wait3A_227] : memref<100000x128xf32, #tpu.memory_space<hbm>> -> memref<128x128xf32, #tpu.memory_space<hbm>>
    %dma_wait3A_229 = arith.constant 0 : i32
    %dma_wait3A_230 = tpu.memref_slice %arg4[%add3A_122, %dma_wait3A_229] : memref<100000x128xf32, #tpu.memory_space<hbm>> -> memref<128x128xf32, #tpu.memory_space<hbm>>
    tpu.wait_dma2 semaphore(%arg26 : memref<!tpu.dma_semaphore, #tpu.memory_space<semaphore_mem>>) src(%arg12 : memref<128x128xf32, #tpu.memory_space<vmem>>) dst(%dma_wait3A_230 : memref<128x128xf32, #tpu.memory_space<hbm>>)
    %dma_start3A_231 = arith.constant 1536 : i32
    %dma_start3A_232 = tpu.memref_slice %arg5[%dma_start3A_231] : memref<3136xi32, #tpu.memory_space<vmem>> -> memref<128xi32, #tpu.memory_space<vmem>>
    %dma_start3A_233 = arith.constant 0 : i32
    %dma_start3A_234 = arith.constant 0 : i32
    %dma_start3A_235 = tpu.memref_slice %arg6[%dma_start3A_233, %dma_start3A_234] : memref<100x128xf32, #tpu.memory_space<vmem_shared>> -> memref<100x128xf32, #tpu.memory_space<vmem_shared>>
    tpu.enqueue_indirect_dma source(%dma_start3A_235 : memref<100x128xf32, #tpu.memory_space<vmem_shared>>) target(%arg12 : memref<128x128xf32, #tpu.memory_space<vmem>>) offsets(%dma_start3A_232 : memref<128xi32, #tpu.memory_space<vmem>>) semaphore(%arg19 : memref<!tpu.dma_semaphore, #tpu.memory_space<semaphore_mem>>)
    %dma_wait3A_236 = arith.constant 1408 : i32
    %dma_wait3A_237 = tpu.memref_slice %arg5[%dma_wait3A_236] : memref<3136xi32, #tpu.memory_space<vmem>> -> memref<128xi32, #tpu.memory_space<vmem>>
    %dma_wait3A_238 = arith.constant 0 : i32
    %dma_wait3A_239 = arith.constant 0 : i32
    %dma_wait3A_240 = tpu.memref_slice %arg6[%dma_wait3A_238, %dma_wait3A_239] : memref<100x128xf32, #tpu.memory_space<vmem_shared>> -> memref<100x128xf32, #tpu.memory_space<vmem_shared>>
    tpu.wait_indirect_dma semaphore(%arg18 : memref<!tpu.dma_semaphore, #tpu.memory_space<semaphore_mem>>) src(%dma_wait3A_240 : memref<100x128xf32, #tpu.memory_space<vmem_shared>>) dst(%arg11 : memref<128x128xf32, #tpu.memory_space<vmem>>)
    %add3A_241 = arith.constant 1408 : i32
    %add3A_242 = arith.addi %min3A_21, %add3A_241 : i32
    %dma_start3A_243 = arith.constant 0 : i32
    %dma_start3A_244 = tpu.memref_slice %arg4[%add3A_242, %dma_start3A_243] : memref<100000x128xf32, #tpu.memory_space<hbm>> -> memref<128x128xf32, #tpu.memory_space<hbm>>
    %dma_start3A_245 = arith.constant 0 : i32
    %dma_start3A_246 = tpu.memref_slice %arg4[%add3A_242, %dma_start3A_245] : memref<100000x128xf32, #tpu.memory_space<hbm>> -> memref<128x128xf32, #tpu.memory_space<hbm>>
    tpu.enqueue_dma source(%arg11 : memref<128x128xf32, #tpu.memory_space<vmem>>) target(%dma_start3A_246 : memref<128x128xf32, #tpu.memory_space<hbm>>) target_semaphore(%arg25 : memref<!tpu.dma_semaphore, #tpu.memory_space<semaphore_mem>>)
    %dma_wait3A_247 = arith.constant 0 : i32
    %dma_wait3A_248 = tpu.memref_slice %arg4[%add3A_142, %dma_wait3A_247] : memref<100000x128xf32, #tpu.memory_space<hbm>> -> memref<128x128xf32, #tpu.memory_space<hbm>>
    %dma_wait3A_249 = arith.constant 0 : i32
    %dma_wait3A_250 = tpu.memref_slice %arg4[%add3A_142, %dma_wait3A_249] : memref<100000x128xf32, #tpu.memory_space<hbm>> -> memref<128x128xf32, #tpu.memory_space<hbm>>
    tpu.wait_dma2 semaphore(%arg27 : memref<!tpu.dma_semaphore, #tpu.memory_space<semaphore_mem>>) src(%arg13 : memref<128x128xf32, #tpu.memory_space<vmem>>) dst(%dma_wait3A_250 : memref<128x128xf32, #tpu.memory_space<hbm>>)
    %dma_start3A_251 = arith.constant 1664 : i32
    %dma_start3A_252 = tpu.memref_slice %arg5[%dma_start3A_251] : memref<3136xi32, #tpu.memory_space<vmem>> -> memref<128xi32, #tpu.memory_space<vmem>>
    %dma_start3A_253 = arith.constant 0 : i32
    %dma_start3A_254 = arith.constant 0 : i32
    %dma_start3A_255 = tpu.memref_slice %arg6[%dma_start3A_253, %dma_start3A_254] : memref<100x128xf32, #tpu.memory_space<vmem_shared>> -> memref<100x128xf32, #tpu.memory_space<vmem_shared>>
    tpu.enqueue_indirect_dma source(%dma_start3A_255 : memref<100x128xf32, #tpu.memory_space<vmem_shared>>) target(%arg13 : memref<128x128xf32, #tpu.memory_space<vmem>>) offsets(%dma_start3A_252 : memref<128xi32, #tpu.memory_space<vmem>>) semaphore(%arg20 : memref<!tpu.dma_semaphore, #tpu.memory_space<semaphore_mem>>)
    %dma_wait3A_256 = arith.constant 1536 : i32
    %dma_wait3A_257 = tpu.memref_slice %arg5[%dma_wait3A_256] : memref<3136xi32, #tpu.memory_space<vmem>> -> memref<128xi32, #tpu.memory_space<vmem>>
    %dma_wait3A_258 = arith.constant 0 : i32
    %dma_wait3A_259 = arith.constant 0 : i32
    %dma_wait3A_260 = tpu.memref_slice %arg6[%dma_wait3A_258, %dma_wait3A_259] : memref<100x128xf32, #tpu.memory_space<vmem_shared>> -> memref<100x128xf32, #tpu.memory_space<vmem_shared>>
    tpu.wait_indirect_dma semaphore(%arg19 : memref<!tpu.dma_semaphore, #tpu.memory_space<semaphore_mem>>) src(%dma_wait3A_260 : memref<100x128xf32, #tpu.memory_space<vmem_shared>>) dst(%arg12 : memref<128x128xf32, #tpu.memory_space<vmem>>)
    %add3A_261 = arith.constant 1536 : i32
    %add3A_262 = arith.addi %min3A_21, %add3A_261 : i32
    %dma_start3A_263 = arith.constant 0 : i32
    %dma_start3A_264 = tpu.memref_slice %arg4[%add3A_262, %dma_start3A_263] : memref<100000x128xf32, #tpu.memory_space<hbm>> -> memref<128x128xf32, #tpu.memory_space<hbm>>
    %dma_start3A_265 = arith.constant 0 : i32
    %dma_start3A_266 = tpu.memref_slice %arg4[%add3A_262, %dma_start3A_265] : memref<100000x128xf32, #tpu.memory_space<hbm>> -> memref<128x128xf32, #tpu.memory_space<hbm>>
    tpu.enqueue_dma source(%arg12 : memref<128x128xf32, #tpu.memory_space<vmem>>) target(%dma_start3A_266 : memref<128x128xf32, #tpu.memory_space<hbm>>) target_semaphore(%arg26 : memref<!tpu.dma_semaphore, #tpu.memory_space<semaphore_mem>>)
    %dma_wait3A_267 = arith.constant 0 : i32
    %dma_wait3A_268 = tpu.memref_slice %arg4[%add3A_162, %dma_wait3A_267] : memref<100000x128xf32, #tpu.memory_space<hbm>> -> memref<128x128xf32, #tpu.memory_space<hbm>>
    %dma_wait3A_269 = arith.constant 0 : i32
    %dma_wait3A_270 = tpu.memref_slice %arg4[%add3A_162, %dma_wait3A_269] : memref<100000x128xf32, #tpu.memory_space<hbm>> -> memref<128x128xf32, #tpu.memory_space<hbm>>
    tpu.wait_dma2 semaphore(%arg21 : memref<!tpu.dma_semaphore, #tpu.memory_space<semaphore_mem>>) src(%arg7 : memref<128x128xf32, #tpu.memory_space<vmem>>) dst(%dma_wait3A_270 : memref<128x128xf32, #tpu.memory_space<hbm>>)
    %dma_start3A_271 = arith.constant 1792 : i32
    %dma_start3A_272 = tpu.memref_slice %arg5[%dma_start3A_271] : memref<3136xi32, #tpu.memory_space<vmem>> -> memref<128xi32, #tpu.memory_space<vmem>>
    %dma_start3A_273 = arith.constant 0 : i32
    %dma_start3A_274 = arith.constant 0 : i32
    %dma_start3A_275 = tpu.memref_slice %arg6[%dma_start3A_273, %dma_start3A_274] : memref<100x128xf32, #tpu.memory_space<vmem_shared>> -> memref<100x128xf32, #tpu.memory_space<vmem_shared>>
    tpu.enqueue_indirect_dma source(%dma_start3A_275 : memref<100x128xf32, #tpu.memory_space<vmem_shared>>) target(%arg7 : memref<128x128xf32, #tpu.memory_space<vmem>>) offsets(%dma_start3A_272 : memref<128xi32, #tpu.memory_space<vmem>>) semaphore(%arg14 : memref<!tpu.dma_semaphore, #tpu.memory_space<semaphore_mem>>)
    %dma_wait3A_276 = arith.constant 1664 : i32
    %dma_wait3A_277 = tpu.memref_slice %arg5[%dma_wait3A_276] : memref<3136xi32, #tpu.memory_space<vmem>> -> memref<128xi32, #tpu.memory_space<vmem>>
    %dma_wait3A_278 = arith.constant 0 : i32
    %dma_wait3A_279 = arith.constant 0 : i32
    %dma_wait3A_280 = tpu.memref_slice %arg6[%dma_wait3A_278, %dma_wait3A_279] : memref<100x128xf32, #tpu.memory_space<vmem_shared>> -> memref<100x128xf32, #tpu.memory_space<vmem_shared>>
    tpu.wait_indirect_dma semaphore(%arg20 : memref<!tpu.dma_semaphore, #tpu.memory_space<semaphore_mem>>) src(%dma_wait3A_280 : memref<100x128xf32, #tpu.memory_space<vmem_shared>>) dst(%arg13 : memref<128x128xf32, #tpu.memory_space<vmem>>)
    %add3A_281 = arith.constant 1664 : i32
    %add3A_282 = arith.addi %min3A_21, %add3A_281 : i32
    %dma_start3A_283 = arith.constant 0 : i32
    %dma_start3A_284 = tpu.memref_slice %arg4[%add3A_282, %dma_start3A_283] : memref<100000x128xf32, #tpu.memory_space<hbm>> -> memref<128x128xf32, #tpu.memory_space<hbm>>
    %dma_start3A_285 = arith.constant 0 : i32
    %dma_start3A_286 = tpu.memref_slice %arg4[%add3A_282, %dma_start3A_285] : memref<100000x128xf32, #tpu.memory_space<hbm>> -> memref<128x128xf32, #tpu.memory_space<hbm>>
    tpu.enqueue_dma source(%arg13 : memref<128x128xf32, #tpu.memory_space<vmem>>) target(%dma_start3A_286 : memref<128x128xf32, #tpu.memory_space<hbm>>) target_semaphore(%arg27 : memref<!tpu.dma_semaphore, #tpu.memory_space<semaphore_mem>>)
    %dma_wait3A_287 = arith.constant 0 : i32
    %dma_wait3A_288 = tpu.memref_slice %arg4[%add3A_182, %dma_wait3A_287] : memref<100000x128xf32, #tpu.memory_space<hbm>> -> memref<128x128xf32, #tpu.memory_space<hbm>>
    %dma_wait3A_289 = arith.constant 0 : i32
    %dma_wait3A_290 = tpu.memref_slice %arg4[%add3A_182, %dma_wait3A_289] : memref<100000x128xf32, #tpu.memory_space<hbm>> -> memref<128x128xf32, #tpu.memory_space<hbm>>
    tpu.wait_dma2 semaphore(%arg22 : memref<!tpu.dma_semaphore, #tpu.memory_space<semaphore_mem>>) src(%arg8 : memref<128x128xf32, #tpu.memory_space<vmem>>) dst(%dma_wait3A_290 : memref<128x128xf32, #tpu.memory_space<hbm>>)
    %dma_start3A_291 = arith.constant 1920 : i32
    %dma_start3A_292 = tpu.memref_slice %arg5[%dma_start3A_291] : memref<3136xi32, #tpu.memory_space<vmem>> -> memref<128xi32, #tpu.memory_space<vmem>>
    %dma_start3A_293 = arith.constant 0 : i32
    %dma_start3A_294 = arith.constant 0 : i32
    %dma_start3A_295 = tpu.memref_slice %arg6[%dma_start3A_293, %dma_start3A_294] : memref<100x128xf32, #tpu.memory_space<vmem_shared>> -> memref<100x128xf32, #tpu.memory_space<vmem_shared>>
    tpu.enqueue_indirect_dma source(%dma_start3A_295 : memref<100x128xf32, #tpu.memory_space<vmem_shared>>) target(%arg8 : memref<128x128xf32, #tpu.memory_space<vmem>>) offsets(%dma_start3A_292 : memref<128xi32, #tpu.memory_space<vmem>>) semaphore(%arg15 : memref<!tpu.dma_semaphore, #tpu.memory_space<semaphore_mem>>)
    %dma_wait3A_296 = arith.constant 1792 : i32
    %dma_wait3A_297 = tpu.memref_slice %arg5[%dma_wait3A_296] : memref<3136xi32, #tpu.memory_space<vmem>> -> memref<128xi32, #tpu.memory_space<vmem>>
    %dma_wait3A_298 = arith.constant 0 : i32
    %dma_wait3A_299 = arith.constant 0 : i32
    %dma_wait3A_300 = tpu.memref_slice %arg6[%dma_wait3A_298, %dma_wait3A_299] : memref<100x128xf32, #tpu.memory_space<vmem_shared>> -> memref<100x128xf32, #tpu.memory_space<vmem_shared>>
    tpu.wait_indirect_dma semaphore(%arg14 : memref<!tpu.dma_semaphore, #tpu.memory_space<semaphore_mem>>) src(%dma_wait3A_300 : memref<100x128xf32, #tpu.memory_space<vmem_shared>>) dst(%arg7 : memref<128x128xf32, #tpu.memory_space<vmem>>)
    %add3A_301 = arith.constant 1792 : i32
    %add3A_302 = arith.addi %min3A_21, %add3A_301 : i32
    %dma_start3A_303 = arith.constant 0 : i32
    %dma_start3A_304 = tpu.memref_slice %arg4[%add3A_302, %dma_start3A_303] : memref<100000x128xf32, #tpu.memory_space<hbm>> -> memref<128x128xf32, #tpu.memory_space<hbm>>
    %dma_start3A_305 = arith.constant 0 : i32
    %dma_start3A_306 = tpu.memref_slice %arg4[%add3A_302, %dma_start3A_305] : memref<100000x128xf32, #tpu.memory_space<hbm>> -> memref<128x128xf32, #tpu.memory_space<hbm>>
    tpu.enqueue_dma source(%arg7 : memref<128x128xf32, #tpu.memory_space<vmem>>) target(%dma_start3A_306 : memref<128x128xf32, #tpu.memory_space<hbm>>) target_semaphore(%arg21 : memref<!tpu.dma_semaphore, #tpu.memory_space<semaphore_mem>>)
    %dma_wait3A_307 = arith.constant 0 : i32
    %dma_wait3A_308 = tpu.memref_slice %arg4[%add3A_202, %dma_wait3A_307] : memref<100000x128xf32, #tpu.memory_space<hbm>> -> memref<128x128xf32, #tpu.memory_space<hbm>>
    %dma_wait3A_309 = arith.constant 0 : i32
    %dma_wait3A_310 = tpu.memref_slice %arg4[%add3A_202, %dma_wait3A_309] : memref<100000x128xf32, #tpu.memory_space<hbm>> -> memref<128x128xf32, #tpu.memory_space<hbm>>
    tpu.wait_dma2 semaphore(%arg23 : memref<!tpu.dma_semaphore, #tpu.memory_space<semaphore_mem>>) src(%arg9 : memref<128x128xf32, #tpu.memory_space<vmem>>) dst(%dma_wait3A_310 : memref<128x128xf32, #tpu.memory_space<hbm>>)
    %dma_start3A_311 = arith.constant 2048 : i32
    %dma_start3A_312 = tpu.memref_slice %arg5[%dma_start3A_311] : memref<3136xi32, #tpu.memory_space<vmem>> -> memref<128xi32, #tpu.memory_space<vmem>>
    %dma_start3A_313 = arith.constant 0 : i32
    %dma_start3A_314 = arith.constant 0 : i32
    %dma_start3A_315 = tpu.memref_slice %arg6[%dma_start3A_313, %dma_start3A_314] : memref<100x128xf32, #tpu.memory_space<vmem_shared>> -> memref<100x128xf32, #tpu.memory_space<vmem_shared>>
    tpu.enqueue_indirect_dma source(%dma_start3A_315 : memref<100x128xf32, #tpu.memory_space<vmem_shared>>) target(%arg9 : memref<128x128xf32, #tpu.memory_space<vmem>>) offsets(%dma_start3A_312 : memref<128xi32, #tpu.memory_space<vmem>>) semaphore(%arg16 : memref<!tpu.dma_semaphore, #tpu.memory_space<semaphore_mem>>)
    %dma_wait3A_316 = arith.constant 1920 : i32
    %dma_wait3A_317 = tpu.memref_slice %arg5[%dma_wait3A_316] : memref<3136xi32, #tpu.memory_space<vmem>> -> memref<128xi32, #tpu.memory_space<vmem>>
    %dma_wait3A_318 = arith.constant 0 : i32
    %dma_wait3A_319 = arith.constant 0 : i32
    %dma_wait3A_320 = tpu.memref_slice %arg6[%dma_wait3A_318, %dma_wait3A_319] : memref<100x128xf32, #tpu.memory_space<vmem_shared>> -> memref<100x128xf32, #tpu.memory_space<vmem_shared>>
    tpu.wait_indirect_dma semaphore(%arg15 : memref<!tpu.dma_semaphore, #tpu.memory_space<semaphore_mem>>) src(%dma_wait3A_320 : memref<100x128xf32, #tpu.memory_space<vmem_shared>>) dst(%arg8 : memref<128x128xf32, #tpu.memory_space<vmem>>)
    %add3A_321 = arith.constant 1920 : i32
    %add3A_322 = arith.addi %min3A_21, %add3A_321 : i32
    %dma_start3A_323 = arith.constant 0 : i32
    %dma_start3A_324 = tpu.memref_slice %arg4[%add3A_322, %dma_start3A_323] : memref<100000x128xf32, #tpu.memory_space<hbm>> -> memref<128x128xf32, #tpu.memory_space<hbm>>
    %dma_start3A_325 = arith.constant 0 : i32
    %dma_start3A_326 = tpu.memref_slice %arg4[%add3A_322, %dma_start3A_325] : memref<100000x128xf32, #tpu.memory_space<hbm>> -> memref<128x128xf32, #tpu.memory_space<hbm>>
    tpu.enqueue_dma source(%arg8 : memref<128x128xf32, #tpu.memory_space<vmem>>) target(%dma_start3A_326 : memref<128x128xf32, #tpu.memory_space<hbm>>) target_semaphore(%arg22 : memref<!tpu.dma_semaphore, #tpu.memory_space<semaphore_mem>>)
    %dma_wait3A_327 = arith.constant 0 : i32
    %dma_wait3A_328 = tpu.memref_slice %arg4[%add3A_222, %dma_wait3A_327] : memref<100000x128xf32, #tpu.memory_space<hbm>> -> memref<128x128xf32, #tpu.memory_space<hbm>>
    %dma_wait3A_329 = arith.constant 0 : i32
    %dma_wait3A_330 = tpu.memref_slice %arg4[%add3A_222, %dma_wait3A_329] : memref<100000x128xf32, #tpu.memory_space<hbm>> -> memref<128x128xf32, #tpu.memory_space<hbm>>
    tpu.wait_dma2 semaphore(%arg24 : memref<!tpu.dma_semaphore, #tpu.memory_space<semaphore_mem>>) src(%arg10 : memref<128x128xf32, #tpu.memory_space<vmem>>) dst(%dma_wait3A_330 : memref<128x128xf32, #tpu.memory_space<hbm>>)
    %dma_start3A_331 = arith.constant 2176 : i32
    %dma_start3A_332 = tpu.memref_slice %arg5[%dma_start3A_331] : memref<3136xi32, #tpu.memory_space<vmem>> -> memref<128xi32, #tpu.memory_space<vmem>>
    %dma_start3A_333 = arith.constant 0 : i32
    %dma_start3A_334 = arith.constant 0 : i32
    %dma_start3A_335 = tpu.memref_slice %arg6[%dma_start3A_333, %dma_start3A_334] : memref<100x128xf32, #tpu.memory_space<vmem_shared>> -> memref<100x128xf32, #tpu.memory_space<vmem_shared>>
    tpu.enqueue_indirect_dma source(%dma_start3A_335 : memref<100x128xf32, #tpu.memory_space<vmem_shared>>) target(%arg10 : memref<128x128xf32, #tpu.memory_space<vmem>>) offsets(%dma_start3A_332 : memref<128xi32, #tpu.memory_space<vmem>>) semaphore(%arg17 : memref<!tpu.dma_semaphore, #tpu.memory_space<semaphore_mem>>)
    %dma_wait3A_336 = arith.constant 2048 : i32
    %dma_wait3A_337 = tpu.memref_slice %arg5[%dma_wait3A_336] : memref<3136xi32, #tpu.memory_space<vmem>> -> memref<128xi32, #tpu.memory_space<vmem>>
    %dma_wait3A_338 = arith.constant 0 : i32
    %dma_wait3A_339 = arith.constant 0 : i32
    %dma_wait3A_340 = tpu.memref_slice %arg6[%dma_wait3A_338, %dma_wait3A_339] : memref<100x128xf32, #tpu.memory_space<vmem_shared>> -> memref<100x128xf32, #tpu.memory_space<vmem_shared>>
    tpu.wait_indirect_dma semaphore(%arg16 : memref<!tpu.dma_semaphore, #tpu.memory_space<semaphore_mem>>) src(%dma_wait3A_340 : memref<100x128xf32, #tpu.memory_space<vmem_shared>>) dst(%arg9 : memref<128x128xf32, #tpu.memory_space<vmem>>)
    %add3A_341 = arith.constant 2048 : i32
    %add3A_342 = arith.addi %min3A_21, %add3A_341 : i32
    %dma_start3A_343 = arith.constant 0 : i32
    %dma_start3A_344 = tpu.memref_slice %arg4[%add3A_342, %dma_start3A_343] : memref<100000x128xf32, #tpu.memory_space<hbm>> -> memref<128x128xf32, #tpu.memory_space<hbm>>
    %dma_start3A_345 = arith.constant 0 : i32
    %dma_start3A_346 = tpu.memref_slice %arg4[%add3A_342, %dma_start3A_345] : memref<100000x128xf32, #tpu.memory_space<hbm>> -> memref<128x128xf32, #tpu.memory_space<hbm>>
    tpu.enqueue_dma source(%arg9 : memref<128x128xf32, #tpu.memory_space<vmem>>) target(%dma_start3A_346 : memref<128x128xf32, #tpu.memory_space<hbm>>) target_semaphore(%arg23 : memref<!tpu.dma_semaphore, #tpu.memory_space<semaphore_mem>>)
    %dma_wait3A_347 = arith.constant 0 : i32
    %dma_wait3A_348 = tpu.memref_slice %arg4[%add3A_242, %dma_wait3A_347] : memref<100000x128xf32, #tpu.memory_space<hbm>> -> memref<128x128xf32, #tpu.memory_space<hbm>>
    %dma_wait3A_349 = arith.constant 0 : i32
    %dma_wait3A_350 = tpu.memref_slice %arg4[%add3A_242, %dma_wait3A_349] : memref<100000x128xf32, #tpu.memory_space<hbm>> -> memref<128x128xf32, #tpu.memory_space<hbm>>
    tpu.wait_dma2 semaphore(%arg25 : memref<!tpu.dma_semaphore, #tpu.memory_space<semaphore_mem>>) src(%arg11 : memref<128x128xf32, #tpu.memory_space<vmem>>) dst(%dma_wait3A_350 : memref<128x128xf32, #tpu.memory_space<hbm>>)
    %dma_start3A_351 = arith.constant 2304 : i32
    %dma_start3A_352 = tpu.memref_slice %arg5[%dma_start3A_351] : memref<3136xi32, #tpu.memory_space<vmem>> -> memref<128xi32, #tpu.memory_space<vmem>>
    %dma_start3A_353 = arith.constant 0 : i32
    %dma_start3A_354 = arith.constant 0 : i32
    %dma_start3A_355 = tpu.memref_slice %arg6[%dma_start3A_353, %dma_start3A_354] : memref<100x128xf32, #tpu.memory_space<vmem_shared>> -> memref<100x128xf32, #tpu.memory_space<vmem_shared>>
    tpu.enqueue_indirect_dma source(%dma_start3A_355 : memref<100x128xf32, #tpu.memory_space<vmem_shared>>) target(%arg11 : memref<128x128xf32, #tpu.memory_space<vmem>>) offsets(%dma_start3A_352 : memref<128xi32, #tpu.memory_space<vmem>>) semaphore(%arg18 : memref<!tpu.dma_semaphore, #tpu.memory_space<semaphore_mem>>)
    %dma_wait3A_356 = arith.constant 2176 : i32
    %dma_wait3A_357 = tpu.memref_slice %arg5[%dma_wait3A_356] : memref<3136xi32, #tpu.memory_space<vmem>> -> memref<128xi32, #tpu.memory_space<vmem>>
    %dma_wait3A_358 = arith.constant 0 : i32
    %dma_wait3A_359 = arith.constant 0 : i32
    %dma_wait3A_360 = tpu.memref_slice %arg6[%dma_wait3A_358, %dma_wait3A_359] : memref<100x128xf32, #tpu.memory_space<vmem_shared>> -> memref<100x128xf32, #tpu.memory_space<vmem_shared>>
    tpu.wait_indirect_dma semaphore(%arg17 : memref<!tpu.dma_semaphore, #tpu.memory_space<semaphore_mem>>) src(%dma_wait3A_360 : memref<100x128xf32, #tpu.memory_space<vmem_shared>>) dst(%arg10 : memref<128x128xf32, #tpu.memory_space<vmem>>)
    %add3A_361 = arith.constant 2176 : i32
    %add3A_362 = arith.addi %min3A_21, %add3A_361 : i32
    %dma_start3A_363 = arith.constant 0 : i32
    %dma_start3A_364 = tpu.memref_slice %arg4[%add3A_362, %dma_start3A_363] : memref<100000x128xf32, #tpu.memory_space<hbm>> -> memref<128x128xf32, #tpu.memory_space<hbm>>
    %dma_start3A_365 = arith.constant 0 : i32
    %dma_start3A_366 = tpu.memref_slice %arg4[%add3A_362, %dma_start3A_365] : memref<100000x128xf32, #tpu.memory_space<hbm>> -> memref<128x128xf32, #tpu.memory_space<hbm>>
    tpu.enqueue_dma source(%arg10 : memref<128x128xf32, #tpu.memory_space<vmem>>) target(%dma_start3A_366 : memref<128x128xf32, #tpu.memory_space<hbm>>) target_semaphore(%arg24 : memref<!tpu.dma_semaphore, #tpu.memory_space<semaphore_mem>>)
    %dma_wait3A_367 = arith.constant 0 : i32
    %dma_wait3A_368 = tpu.memref_slice %arg4[%add3A_262, %dma_wait3A_367] : memref<100000x128xf32, #tpu.memory_space<hbm>> -> memref<128x128xf32, #tpu.memory_space<hbm>>
    %dma_wait3A_369 = arith.constant 0 : i32
    %dma_wait3A_370 = tpu.memref_slice %arg4[%add3A_262, %dma_wait3A_369] : memref<100000x128xf32, #tpu.memory_space<hbm>> -> memref<128x128xf32, #tpu.memory_space<hbm>>
    tpu.wait_dma2 semaphore(%arg26 : memref<!tpu.dma_semaphore, #tpu.memory_space<semaphore_mem>>) src(%arg12 : memref<128x128xf32, #tpu.memory_space<vmem>>) dst(%dma_wait3A_370 : memref<128x128xf32, #tpu.memory_space<hbm>>)
    %dma_start3A_371 = arith.constant 2432 : i32
    %dma_start3A_372 = tpu.memref_slice %arg5[%dma_start3A_371] : memref<3136xi32, #tpu.memory_space<vmem>> -> memref<128xi32, #tpu.memory_space<vmem>>
    %dma_start3A_373 = arith.constant 0 : i32
    %dma_start3A_374 = arith.constant 0 : i32
    %dma_start3A_375 = tpu.memref_slice %arg6[%dma_start3A_373, %dma_start3A_374] : memref<100x128xf32, #tpu.memory_space<vmem_shared>> -> memref<100x128xf32, #tpu.memory_space<vmem_shared>>
    tpu.enqueue_indirect_dma source(%dma_start3A_375 : memref<100x128xf32, #tpu.memory_space<vmem_shared>>) target(%arg12 : memref<128x128xf32, #tpu.memory_space<vmem>>) offsets(%dma_start3A_372 : memref<128xi32, #tpu.memory_space<vmem>>) semaphore(%arg19 : memref<!tpu.dma_semaphore, #tpu.memory_space<semaphore_mem>>)
    %dma_wait3A_376 = arith.constant 2304 : i32
    %dma_wait3A_377 = tpu.memref_slice %arg5[%dma_wait3A_376] : memref<3136xi32, #tpu.memory_space<vmem>> -> memref<128xi32, #tpu.memory_space<vmem>>
    %dma_wait3A_378 = arith.constant 0 : i32
    %dma_wait3A_379 = arith.constant 0 : i32
    %dma_wait3A_380 = tpu.memref_slice %arg6[%dma_wait3A_378, %dma_wait3A_379] : memref<100x128xf32, #tpu.memory_space<vmem_shared>> -> memref<100x128xf32, #tpu.memory_space<vmem_shared>>
    tpu.wait_indirect_dma semaphore(%arg18 : memref<!tpu.dma_semaphore, #tpu.memory_space<semaphore_mem>>) src(%dma_wait3A_380 : memref<100x128xf32, #tpu.memory_space<vmem_shared>>) dst(%arg11 : memref<128x128xf32, #tpu.memory_space<vmem>>)
    %add3A_381 = arith.constant 2304 : i32
    %add3A_382 = arith.addi %min3A_21, %add3A_381 : i32
    %dma_start3A_383 = arith.constant 0 : i32
    %dma_start3A_384 = tpu.memref_slice %arg4[%add3A_382, %dma_start3A_383] : memref<100000x128xf32, #tpu.memory_space<hbm>> -> memref<128x128xf32, #tpu.memory_space<hbm>>
    %dma_start3A_385 = arith.constant 0 : i32
    %dma_start3A_386 = tpu.memref_slice %arg4[%add3A_382, %dma_start3A_385] : memref<100000x128xf32, #tpu.memory_space<hbm>> -> memref<128x128xf32, #tpu.memory_space<hbm>>
    tpu.enqueue_dma source(%arg11 : memref<128x128xf32, #tpu.memory_space<vmem>>) target(%dma_start3A_386 : memref<128x128xf32, #tpu.memory_space<hbm>>) target_semaphore(%arg25 : memref<!tpu.dma_semaphore, #tpu.memory_space<semaphore_mem>>)
    %dma_wait3A_387 = arith.constant 0 : i32
    %dma_wait3A_388 = tpu.memref_slice %arg4[%add3A_282, %dma_wait3A_387] : memref<100000x128xf32, #tpu.memory_space<hbm>> -> memref<128x128xf32, #tpu.memory_space<hbm>>
    %dma_wait3A_389 = arith.constant 0 : i32
    %dma_wait3A_390 = tpu.memref_slice %arg4[%add3A_282, %dma_wait3A_389] : memref<100000x128xf32, #tpu.memory_space<hbm>> -> memref<128x128xf32, #tpu.memory_space<hbm>>
    tpu.wait_dma2 semaphore(%arg27 : memref<!tpu.dma_semaphore, #tpu.memory_space<semaphore_mem>>) src(%arg13 : memref<128x128xf32, #tpu.memory_space<vmem>>) dst(%dma_wait3A_390 : memref<128x128xf32, #tpu.memory_space<hbm>>)
    %dma_start3A_391 = arith.constant 2560 : i32
    %dma_start3A_392 = tpu.memref_slice %arg5[%dma_start3A_391] : memref<3136xi32, #tpu.memory_space<vmem>> -> memref<128xi32, #tpu.memory_space<vmem>>
    %dma_start3A_393 = arith.constant 0 : i32
    %dma_start3A_394 = arith.constant 0 : i32
    %dma_start3A_395 = tpu.memref_slice %arg6[%dma_start3A_393, %dma_start3A_394] : memref<100x128xf32, #tpu.memory_space<vmem_shared>> -> memref<100x128xf32, #tpu.memory_space<vmem_shared>>
    tpu.enqueue_indirect_dma source(%dma_start3A_395 : memref<100x128xf32, #tpu.memory_space<vmem_shared>>) target(%arg13 : memref<128x128xf32, #tpu.memory_space<vmem>>) offsets(%dma_start3A_392 : memref<128xi32, #tpu.memory_space<vmem>>) semaphore(%arg20 : memref<!tpu.dma_semaphore, #tpu.memory_space<semaphore_mem>>)
    %dma_wait3A_396 = arith.constant 2432 : i32
    %dma_wait3A_397 = tpu.memref_slice %arg5[%dma_wait3A_396] : memref<3136xi32, #tpu.memory_space<vmem>> -> memref<128xi32, #tpu.memory_space<vmem>>
    %dma_wait3A_398 = arith.constant 0 : i32
    %dma_wait3A_399 = arith.constant 0 : i32
    %dma_wait3A_400 = tpu.memref_slice %arg6[%dma_wait3A_398, %dma_wait3A_399] : memref<100x128xf32, #tpu.memory_space<vmem_shared>> -> memref<100x128xf32, #tpu.memory_space<vmem_shared>>
    tpu.wait_indirect_dma semaphore(%arg19 : memref<!tpu.dma_semaphore, #tpu.memory_space<semaphore_mem>>) src(%dma_wait3A_400 : memref<100x128xf32, #tpu.memory_space<vmem_shared>>) dst(%arg12 : memref<128x128xf32, #tpu.memory_space<vmem>>)
    %add3A_401 = arith.constant 2432 : i32
    %add3A_402 = arith.addi %min3A_21, %add3A_401 : i32
    %dma_start3A_403 = arith.constant 0 : i32
    %dma_start3A_404 = tpu.memref_slice %arg4[%add3A_402, %dma_start3A_403] : memref<100000x128xf32, #tpu.memory_space<hbm>> -> memref<128x128xf32, #tpu.memory_space<hbm>>
    %dma_start3A_405 = arith.constant 0 : i32
    %dma_start3A_406 = tpu.memref_slice %arg4[%add3A_402, %dma_start3A_405] : memref<100000x128xf32, #tpu.memory_space<hbm>> -> memref<128x128xf32, #tpu.memory_space<hbm>>
    tpu.enqueue_dma source(%arg12 : memref<128x128xf32, #tpu.memory_space<vmem>>) target(%dma_start3A_406 : memref<128x128xf32, #tpu.memory_space<hbm>>) target_semaphore(%arg26 : memref<!tpu.dma_semaphore, #tpu.memory_space<semaphore_mem>>)
    %dma_wait3A_407 = arith.constant 0 : i32
    %dma_wait3A_408 = tpu.memref_slice %arg4[%add3A_302, %dma_wait3A_407] : memref<100000x128xf32, #tpu.memory_space<hbm>> -> memref<128x128xf32, #tpu.memory_space<hbm>>
    %dma_wait3A_409 = arith.constant 0 : i32
    %dma_wait3A_410 = tpu.memref_slice %arg4[%add3A_302, %dma_wait3A_409] : memref<100000x128xf32, #tpu.memory_space<hbm>> -> memref<128x128xf32, #tpu.memory_space<hbm>>
    tpu.wait_dma2 semaphore(%arg21 : memref<!tpu.dma_semaphore, #tpu.memory_space<semaphore_mem>>) src(%arg7 : memref<128x128xf32, #tpu.memory_space<vmem>>) dst(%dma_wait3A_410 : memref<128x128xf32, #tpu.memory_space<hbm>>)
    %dma_start3A_411 = arith.constant 2688 : i32
    %dma_start3A_412 = tpu.memref_slice %arg5[%dma_start3A_411] : memref<3136xi32, #tpu.memory_space<vmem>> -> memref<128xi32, #tpu.memory_space<vmem>>
    %dma_start3A_413 = arith.constant 0 : i32
    %dma_start3A_414 = arith.constant 0 : i32
    %dma_start3A_415 = tpu.memref_slice %arg6[%dma_start3A_413, %dma_start3A_414] : memref<100x128xf32, #tpu.memory_space<vmem_shared>> -> memref<100x128xf32, #tpu.memory_space<vmem_shared>>
    tpu.enqueue_indirect_dma source(%dma_start3A_415 : memref<100x128xf32, #tpu.memory_space<vmem_shared>>) target(%arg7 : memref<128x128xf32, #tpu.memory_space<vmem>>) offsets(%dma_start3A_412 : memref<128xi32, #tpu.memory_space<vmem>>) semaphore(%arg14 : memref<!tpu.dma_semaphore, #tpu.memory_space<semaphore_mem>>)
    %dma_wait3A_416 = arith.constant 2560 : i32
    %dma_wait3A_417 = tpu.memref_slice %arg5[%dma_wait3A_416] : memref<3136xi32, #tpu.memory_space<vmem>> -> memref<128xi32, #tpu.memory_space<vmem>>
    %dma_wait3A_418 = arith.constant 0 : i32
    %dma_wait3A_419 = arith.constant 0 : i32
    %dma_wait3A_420 = tpu.memref_slice %arg6[%dma_wait3A_418, %dma_wait3A_419] : memref<100x128xf32, #tpu.memory_space<vmem_shared>> -> memref<100x128xf32, #tpu.memory_space<vmem_shared>>
    tpu.wait_indirect_dma semaphore(%arg20 : memref<!tpu.dma_semaphore, #tpu.memory_space<semaphore_mem>>) src(%dma_wait3A_420 : memref<100x128xf32, #tpu.memory_space<vmem_shared>>) dst(%arg13 : memref<128x128xf32, #tpu.memory_space<vmem>>)
    %add3A_421 = arith.constant 2560 : i32
    %add3A_422 = arith.addi %min3A_21, %add3A_421 : i32
    %dma_start3A_423 = arith.constant 0 : i32
    %dma_start3A_424 = tpu.memref_slice %arg4[%add3A_422, %dma_start3A_423] : memref<100000x128xf32, #tpu.memory_space<hbm>> -> memref<128x128xf32, #tpu.memory_space<hbm>>
    %dma_start3A_425 = arith.constant 0 : i32
    %dma_start3A_426 = tpu.memref_slice %arg4[%add3A_422, %dma_start3A_425] : memref<100000x128xf32, #tpu.memory_space<hbm>> -> memref<128x128xf32, #tpu.memory_space<hbm>>
    tpu.enqueue_dma source(%arg13 : memref<128x128xf32, #tpu.memory_space<vmem>>) target(%dma_start3A_426 : memref<128x128xf32, #tpu.memory_space<hbm>>) target_semaphore(%arg27 : memref<!tpu.dma_semaphore, #tpu.memory_space<semaphore_mem>>)
    %dma_wait3A_427 = arith.constant 0 : i32
    %dma_wait3A_428 = tpu.memref_slice %arg4[%add3A_322, %dma_wait3A_427] : memref<100000x128xf32, #tpu.memory_space<hbm>> -> memref<128x128xf32, #tpu.memory_space<hbm>>
    %dma_wait3A_429 = arith.constant 0 : i32
    %dma_wait3A_430 = tpu.memref_slice %arg4[%add3A_322, %dma_wait3A_429] : memref<100000x128xf32, #tpu.memory_space<hbm>> -> memref<128x128xf32, #tpu.memory_space<hbm>>
    tpu.wait_dma2 semaphore(%arg22 : memref<!tpu.dma_semaphore, #tpu.memory_space<semaphore_mem>>) src(%arg8 : memref<128x128xf32, #tpu.memory_space<vmem>>) dst(%dma_wait3A_430 : memref<128x128xf32, #tpu.memory_space<hbm>>)
    %dma_start3A_431 = arith.constant 2816 : i32
    %dma_start3A_432 = tpu.memref_slice %arg5[%dma_start3A_431] : memref<3136xi32, #tpu.memory_space<vmem>> -> memref<128xi32, #tpu.memory_space<vmem>>
    %dma_start3A_433 = arith.constant 0 : i32
    %dma_start3A_434 = arith.constant 0 : i32
    %dma_start3A_435 = tpu.memref_slice %arg6[%dma_start3A_433, %dma_start3A_434] : memref<100x128xf32, #tpu.memory_space<vmem_shared>> -> memref<100x128xf32, #tpu.memory_space<vmem_shared>>
    tpu.enqueue_indirect_dma source(%dma_start3A_435 : memref<100x128xf32, #tpu.memory_space<vmem_shared>>) target(%arg8 : memref<128x128xf32, #tpu.memory_space<vmem>>) offsets(%dma_start3A_432 : memref<128xi32, #tpu.memory_space<vmem>>) semaphore(%arg15 : memref<!tpu.dma_semaphore, #tpu.memory_space<semaphore_mem>>)
    %dma_wait3A_436 = arith.constant 2688 : i32
    %dma_wait3A_437 = tpu.memref_slice %arg5[%dma_wait3A_436] : memref<3136xi32, #tpu.memory_space<vmem>> -> memref<128xi32, #tpu.memory_space<vmem>>
    %dma_wait3A_438 = arith.constant 0 : i32
    %dma_wait3A_439 = arith.constant 0 : i32
    %dma_wait3A_440 = tpu.memref_slice %arg6[%dma_wait3A_438, %dma_wait3A_439] : memref<100x128xf32, #tpu.memory_space<vmem_shared>> -> memref<100x128xf32, #tpu.memory_space<vmem_shared>>
    tpu.wait_indirect_dma semaphore(%arg14 : memref<!tpu.dma_semaphore, #tpu.memory_space<semaphore_mem>>) src(%dma_wait3A_440 : memref<100x128xf32, #tpu.memory_space<vmem_shared>>) dst(%arg7 : memref<128x128xf32, #tpu.memory_space<vmem>>)
    %add3A_441 = arith.constant 2688 : i32
    %add3A_442 = arith.addi %min3A_21, %add3A_441 : i32
    %dma_start3A_443 = arith.constant 0 : i32
    %dma_start3A_444 = tpu.memref_slice %arg4[%add3A_442, %dma_start3A_443] : memref<100000x128xf32, #tpu.memory_space<hbm>> -> memref<128x128xf32, #tpu.memory_space<hbm>>
    %dma_start3A_445 = arith.constant 0 : i32
    %dma_start3A_446 = tpu.memref_slice %arg4[%add3A_442, %dma_start3A_445] : memref<100000x128xf32, #tpu.memory_space<hbm>> -> memref<128x128xf32, #tpu.memory_space<hbm>>
    tpu.enqueue_dma source(%arg7 : memref<128x128xf32, #tpu.memory_space<vmem>>) target(%dma_start3A_446 : memref<128x128xf32, #tpu.memory_space<hbm>>) target_semaphore(%arg21 : memref<!tpu.dma_semaphore, #tpu.memory_space<semaphore_mem>>)
    %dma_wait3A_447 = arith.constant 0 : i32
    %dma_wait3A_448 = tpu.memref_slice %arg4[%add3A_342, %dma_wait3A_447] : memref<100000x128xf32, #tpu.memory_space<hbm>> -> memref<128x128xf32, #tpu.memory_space<hbm>>
    %dma_wait3A_449 = arith.constant 0 : i32
    %dma_wait3A_450 = tpu.memref_slice %arg4[%add3A_342, %dma_wait3A_449] : memref<100000x128xf32, #tpu.memory_space<hbm>> -> memref<128x128xf32, #tpu.memory_space<hbm>>
    tpu.wait_dma2 semaphore(%arg23 : memref<!tpu.dma_semaphore, #tpu.memory_space<semaphore_mem>>) src(%arg9 : memref<128x128xf32, #tpu.memory_space<vmem>>) dst(%dma_wait3A_450 : memref<128x128xf32, #tpu.memory_space<hbm>>)
    %dma_start3A_451 = arith.constant 2944 : i32
    %dma_start3A_452 = tpu.memref_slice %arg5[%dma_start3A_451] : memref<3136xi32, #tpu.memory_space<vmem>> -> memref<128xi32, #tpu.memory_space<vmem>>
    %dma_start3A_453 = arith.constant 0 : i32
    %dma_start3A_454 = arith.constant 0 : i32
    %dma_start3A_455 = tpu.memref_slice %arg6[%dma_start3A_453, %dma_start3A_454] : memref<100x128xf32, #tpu.memory_space<vmem_shared>> -> memref<100x128xf32, #tpu.memory_space<vmem_shared>>
    tpu.enqueue_indirect_dma source(%dma_start3A_455 : memref<100x128xf32, #tpu.memory_space<vmem_shared>>) target(%arg9 : memref<128x128xf32, #tpu.memory_space<vmem>>) offsets(%dma_start3A_452 : memref<128xi32, #tpu.memory_space<vmem>>) semaphore(%arg16 : memref<!tpu.dma_semaphore, #tpu.memory_space<semaphore_mem>>)
    %dma_wait3A_456 = arith.constant 2816 : i32
    %dma_wait3A_457 = tpu.memref_slice %arg5[%dma_wait3A_456] : memref<3136xi32, #tpu.memory_space<vmem>> -> memref<128xi32, #tpu.memory_space<vmem>>
    %dma_wait3A_458 = arith.constant 0 : i32
    %dma_wait3A_459 = arith.constant 0 : i32
    %dma_wait3A_460 = tpu.memref_slice %arg6[%dma_wait3A_458, %dma_wait3A_459] : memref<100x128xf32, #tpu.memory_space<vmem_shared>> -> memref<100x128xf32, #tpu.memory_space<vmem_shared>>
    tpu.wait_indirect_dma semaphore(%arg15 : memref<!tpu.dma_semaphore, #tpu.memory_space<semaphore_mem>>) src(%dma_wait3A_460 : memref<100x128xf32, #tpu.memory_space<vmem_shared>>) dst(%arg8 : memref<128x128xf32, #tpu.memory_space<vmem>>)
    %add3A_461 = arith.constant 2816 : i32
    %add3A_462 = arith.addi %min3A_21, %add3A_461 : i32
    %dma_start3A_463 = arith.constant 0 : i32
    %dma_start3A_464 = tpu.memref_slice %arg4[%add3A_462, %dma_start3A_463] : memref<100000x128xf32, #tpu.memory_space<hbm>> -> memref<128x128xf32, #tpu.memory_space<hbm>>
    %dma_start3A_465 = arith.constant 0 : i32
    %dma_start3A_466 = tpu.memref_slice %arg4[%add3A_462, %dma_start3A_465] : memref<100000x128xf32, #tpu.memory_space<hbm>> -> memref<128x128xf32, #tpu.memory_space<hbm>>
    tpu.enqueue_dma source(%arg8 : memref<128x128xf32, #tpu.memory_space<vmem>>) target(%dma_start3A_466 : memref<128x128xf32, #tpu.memory_space<hbm>>) target_semaphore(%arg22 : memref<!tpu.dma_semaphore, #tpu.memory_space<semaphore_mem>>)
    %dma_wait3A_467 = arith.constant 0 : i32
    %dma_wait3A_468 = tpu.memref_slice %arg4[%add3A_362, %dma_wait3A_467] : memref<100000x128xf32, #tpu.memory_space<hbm>> -> memref<128x128xf32, #tpu.memory_space<hbm>>
    %dma_wait3A_469 = arith.constant 0 : i32
    %dma_wait3A_470 = tpu.memref_slice %arg4[%add3A_362, %dma_wait3A_469] : memref<100000x128xf32, #tpu.memory_space<hbm>> -> memref<128x128xf32, #tpu.memory_space<hbm>>
    tpu.wait_dma2 semaphore(%arg24 : memref<!tpu.dma_semaphore, #tpu.memory_space<semaphore_mem>>) src(%arg10 : memref<128x128xf32, #tpu.memory_space<vmem>>) dst(%dma_wait3A_470 : memref<128x128xf32, #tpu.memory_space<hbm>>)
    %dma_start3A_471 = arith.constant 0 : i32
    %dma_start3A_472 = arith.constant 0 : i32
    %dma_start3A_473 = tpu.memref_slice %arg10[%dma_start3A_471, %dma_start3A_472] : memref<128x128xf32, #tpu.memory_space<vmem>> -> memref<64x128xf32, #tpu.memory_space<vmem>>
    %dma_start3A_474 = arith.constant 3072 : i32
    %dma_start3A_475 = tpu.memref_slice %arg5[%dma_start3A_474] : memref<3136xi32, #tpu.memory_space<vmem>> -> memref<64xi32, #tpu.memory_space<vmem>>
    %dma_start3A_476 = arith.constant 0 : i32
    %dma_start3A_477 = arith.constant 0 : i32
    %dma_start3A_478 = tpu.memref_slice %arg6[%dma_start3A_476, %dma_start3A_477] : memref<100x128xf32, #tpu.memory_space<vmem_shared>> -> memref<100x128xf32, #tpu.memory_space<vmem_shared>>
    tpu.enqueue_indirect_dma source(%dma_start3A_478 : memref<100x128xf32, #tpu.memory_space<vmem_shared>>) target(%dma_start3A_473 : memref<64x128xf32, #tpu.memory_space<vmem>>) offsets(%dma_start3A_475 : memref<64xi32, #tpu.memory_space<vmem>>) semaphore(%arg17 : memref<!tpu.dma_semaphore, #tpu.memory_space<semaphore_mem>>)
    %dma_wait3A_479 = arith.constant 2944 : i32
    %dma_wait3A_480 = tpu.memref_slice %arg5[%dma_wait3A_479] : memref<3136xi32, #tpu.memory_space<vmem>> -> memref<128xi32, #tpu.memory_space<vmem>>
    %dma_wait3A_481 = arith.constant 0 : i32
    %dma_wait3A_482 = arith.constant 0 : i32
    %dma_wait3A_483 = tpu.memref_slice %arg6[%dma_wait3A_481, %dma_wait3A_482] : memref<100x128xf32, #tpu.memory_space<vmem_shared>> -> memref<100x128xf32, #tpu.memory_space<vmem_shared>>
    tpu.wait_indirect_dma semaphore(%arg16 : memref<!tpu.dma_semaphore, #tpu.memory_space<semaphore_mem>>) src(%dma_wait3A_483 : memref<100x128xf32, #tpu.memory_space<vmem_shared>>) dst(%arg9 : memref<128x128xf32, #tpu.memory_space<vmem>>)
    %add3A_484 = arith.constant 2944 : i32
    %add3A_485 = arith.addi %min3A_21, %add3A_484 : i32
    %dma_start3A_486 = arith.constant 0 : i32
    %dma_start3A_487 = tpu.memref_slice %arg4[%add3A_485, %dma_start3A_486] : memref<100000x128xf32, #tpu.memory_space<hbm>> -> memref<128x128xf32, #tpu.memory_space<hbm>>
    %dma_start3A_488 = arith.constant 0 : i32
    %dma_start3A_489 = tpu.memref_slice %arg4[%add3A_485, %dma_start3A_488] : memref<100000x128xf32, #tpu.memory_space<hbm>> -> memref<128x128xf32, #tpu.memory_space<hbm>>
    tpu.enqueue_dma source(%arg9 : memref<128x128xf32, #tpu.memory_space<vmem>>) target(%dma_start3A_489 : memref<128x128xf32, #tpu.memory_space<hbm>>) target_semaphore(%arg23 : memref<!tpu.dma_semaphore, #tpu.memory_space<semaphore_mem>>)
    %dma_wait3A_490 = arith.constant 0 : i32
    %dma_wait3A_491 = arith.constant 0 : i32
    %dma_wait3A_492 = tpu.memref_slice %arg10[%dma_wait3A_490, %dma_wait3A_491] : memref<128x128xf32, #tpu.memory_space<vmem>> -> memref<64x128xf32, #tpu.memory_space<vmem>>
    %dma_wait3A_493 = arith.constant 3072 : i32
    %dma_wait3A_494 = tpu.memref_slice %arg5[%dma_wait3A_493] : memref<3136xi32, #tpu.memory_space<vmem>> -> memref<64xi32, #tpu.memory_space<vmem>>
    %dma_wait3A_495 = arith.constant 0 : i32
    %dma_wait3A_496 = arith.constant 0 : i32
    %dma_wait3A_497 = tpu.memref_slice %arg6[%dma_wait3A_495, %dma_wait3A_496] : memref<100x128xf32, #tpu.memory_space<vmem_shared>> -> memref<100x128xf32, #tpu.memory_space<vmem_shared>>
    tpu.wait_indirect_dma semaphore(%arg17 : memref<!tpu.dma_semaphore, #tpu.memory_space<semaphore_mem>>) src(%dma_wait3A_497 : memref<100x128xf32, #tpu.memory_space<vmem_shared>>) dst(%dma_wait3A_492 : memref<64x128xf32, #tpu.memory_space<vmem>>)
    %add3A_498 = arith.constant 3072 : i32
    %add3A_499 = arith.addi %min3A_21, %add3A_498 : i32
    %dma_start3A_500 = arith.constant 0 : i32
    %dma_start3A_501 = arith.constant 0 : i32
    %dma_start3A_502 = tpu.memref_slice %arg10[%dma_start3A_500, %dma_start3A_501] : memref<128x128xf32, #tpu.memory_space<vmem>> -> memref<64x128xf32, #tpu.memory_space<vmem>>
    %dma_start3A_503 = arith.constant 0 : i32
    %dma_start3A_504 = tpu.memref_slice %arg4[%add3A_499, %dma_start3A_503] : memref<100000x128xf32, #tpu.memory_space<hbm>> -> memref<64x128xf32, #tpu.memory_space<hbm>>
    %dma_start3A_505 = arith.constant 0 : i32
    %dma_start3A_506 = tpu.memref_slice %arg4[%add3A_499, %dma_start3A_505] : memref<100000x128xf32, #tpu.memory_space<hbm>> -> memref<64x128xf32, #tpu.memory_space<hbm>>
    %dma_start3A_507 = arith.constant 0 : i32
    %dma_start3A_508 = arith.constant 0 : i32
    %dma_start3A_509 = tpu.memref_slice %arg10[%dma_start3A_507, %dma_start3A_508] : memref<128x128xf32, #tpu.memory_space<vmem>> -> memref<64x128xf32, #tpu.memory_space<vmem>>
    tpu.enqueue_dma source(%dma_start3A_509 : memref<64x128xf32, #tpu.memory_space<vmem>>) target(%dma_start3A_506 : memref<64x128xf32, #tpu.memory_space<hbm>>) target_semaphore(%arg24 : memref<!tpu.dma_semaphore, #tpu.memory_space<semaphore_mem>>)
    %dma_wait3A_510 = arith.constant 0 : i32
    %dma_wait3A_511 = tpu.memref_slice %arg4[%add3A_382, %dma_wait3A_510] : memref<100000x128xf32, #tpu.memory_space<hbm>> -> memref<128x128xf32, #tpu.memory_space<hbm>>
    %dma_wait3A_512 = arith.constant 0 : i32
    %dma_wait3A_513 = tpu.memref_slice %arg4[%add3A_382, %dma_wait3A_512] : memref<100000x128xf32, #tpu.memory_space<hbm>> -> memref<128x128xf32, #tpu.memory_space<hbm>>
    tpu.wait_dma2 semaphore(%arg25 : memref<!tpu.dma_semaphore, #tpu.memory_space<semaphore_mem>>) src(%arg11 : memref<128x128xf32, #tpu.memory_space<vmem>>) dst(%dma_wait3A_513 : memref<128x128xf32, #tpu.memory_space<hbm>>)
    %dma_wait3A_514 = arith.constant 0 : i32
    %dma_wait3A_515 = tpu.memref_slice %arg4[%add3A_402, %dma_wait3A_514] : memref<100000x128xf32, #tpu.memory_space<hbm>> -> memref<128x128xf32, #tpu.memory_space<hbm>>
    %dma_wait3A_516 = arith.constant 0 : i32
    %dma_wait3A_517 = tpu.memref_slice %arg4[%add3A_402, %dma_wait3A_516] : memref<100000x128xf32, #tpu.memory_space<hbm>> -> memref<128x128xf32, #tpu.memory_space<hbm>>
    tpu.wait_dma2 semaphore(%arg26 : memref<!tpu.dma_semaphore, #tpu.memory_space<semaphore_mem>>) src(%arg12 : memref<128x128xf32, #tpu.memory_space<vmem>>) dst(%dma_wait3A_517 : memref<128x128xf32, #tpu.memory_space<hbm>>)
    %dma_wait3A_518 = arith.constant 0 : i32
    %dma_wait3A_519 = tpu.memref_slice %arg4[%add3A_422, %dma_wait3A_518] : memref<100000x128xf32, #tpu.memory_space<hbm>> -> memref<128x128xf32, #tpu.memory_space<hbm>>
    %dma_wait3A_520 = arith.constant 0 : i32
    %dma_wait3A_521 = tpu.memref_slice %arg4[%add3A_422, %dma_wait3A_520] : memref<100000x128xf32, #tpu.memory_space<hbm>> -> memref<128x128xf32, #tpu.memory_space<hbm>>
    tpu.wait_dma2 semaphore(%arg27 : memref<!tpu.dma_semaphore, #tpu.memory_space<semaphore_mem>>) src(%arg13 : memref<128x128xf32, #tpu.memory_space<vmem>>) dst(%dma_wait3A_521 : memref<128x128xf32, #tpu.memory_space<hbm>>)
    %dma_wait3A_522 = arith.constant 0 : i32
    %dma_wait3A_523 = tpu.memref_slice %arg4[%add3A_442, %dma_wait3A_522] : memref<100000x128xf32, #tpu.memory_space<hbm>> -> memref<128x128xf32, #tpu.memory_space<hbm>>
    %dma_wait3A_524 = arith.constant 0 : i32
    %dma_wait3A_525 = tpu.memref_slice %arg4[%add3A_442, %dma_wait3A_524] : memref<100000x128xf32, #tpu.memory_space<hbm>> -> memref<128x128xf32, #tpu.memory_space<hbm>>
    tpu.wait_dma2 semaphore(%arg21 : memref<!tpu.dma_semaphore, #tpu.memory_space<semaphore_mem>>) src(%arg7 : memref<128x128xf32, #tpu.memory_space<vmem>>) dst(%dma_wait3A_525 : memref<128x128xf32, #tpu.memory_space<hbm>>)
    %dma_wait3A_526 = arith.constant 0 : i32
    %dma_wait3A_527 = tpu.memref_slice %arg4[%add3A_462, %dma_wait3A_526] : memref<100000x128xf32, #tpu.memory_space<hbm>> -> memref<128x128xf32, #tpu.memory_space<hbm>>
    %dma_wait3A_528 = arith.constant 0 : i32
    %dma_wait3A_529 = tpu.memref_slice %arg4[%add3A_462, %dma_wait3A_528] : memref<100000x128xf32, #tpu.memory_space<hbm>> -> memref<128x128xf32, #tpu.memory_space<hbm>>
    tpu.wait_dma2 semaphore(%arg22 : memref<!tpu.dma_semaphore, #tpu.memory_space<semaphore_mem>>) src(%arg8 : memref<128x128xf32, #tpu.memory_space<vmem>>) dst(%dma_wait3A_529 : memref<128x128xf32, #tpu.memory_space<hbm>>)
    %dma_wait3A_530 = arith.constant 0 : i32
    %dma_wait3A_531 = tpu.memref_slice %arg4[%add3A_485, %dma_wait3A_530] : memref<100000x128xf32, #tpu.memory_space<hbm>> -> memref<128x128xf32, #tpu.memory_space<hbm>>
    %dma_wait3A_532 = arith.constant 0 : i32
    %dma_wait3A_533 = tpu.memref_slice %arg4[%add3A_485, %dma_wait3A_532] : memref<100000x128xf32, #tpu.memory_space<hbm>> -> memref<128x128xf32, #tpu.memory_space<hbm>>
    tpu.wait_dma2 semaphore(%arg23 : memref<!tpu.dma_semaphore, #tpu.memory_space<semaphore_mem>>) src(%arg9 : memref<128x128xf32, #tpu.memory_space<vmem>>) dst(%dma_wait3A_533 : memref<128x128xf32, #tpu.memory_space<hbm>>)
    %dma_wait3A_534 = arith.constant 0 : i32
    %dma_wait3A_535 = arith.constant 0 : i32
    %dma_wait3A_536 = tpu.memref_slice %arg10[%dma_wait3A_534, %dma_wait3A_535] : memref<128x128xf32, #tpu.memory_space<vmem>> -> memref<64x128xf32, #tpu.memory_space<vmem>>
    %dma_wait3A_537 = arith.constant 0 : i32
    %dma_wait3A_538 = tpu.memref_slice %arg4[%add3A_499, %dma_wait3A_537] : memref<100000x128xf32, #tpu.memory_space<hbm>> -> memref<64x128xf32, #tpu.memory_space<hbm>>
    %dma_wait3A_539 = arith.constant 0 : i32
    %dma_wait3A_540 = tpu.memref_slice %arg4[%add3A_499, %dma_wait3A_539] : memref<100000x128xf32, #tpu.memory_space<hbm>> -> memref<64x128xf32, #tpu.memory_space<hbm>>
    %dma_wait3A_541 = arith.constant 0 : i32
    %dma_wait3A_542 = arith.constant 0 : i32
    %dma_wait3A_543 = tpu.memref_slice %arg10[%dma_wait3A_541, %dma_wait3A_542] : memref<128x128xf32, #tpu.memory_space<vmem>> -> memref<64x128xf32, #tpu.memory_space<vmem>>
    tpu.wait_dma2 semaphore(%arg24 : memref<!tpu.dma_semaphore, #tpu.memory_space<semaphore_mem>>) src(%dma_wait3A_543 : memref<64x128xf32, #tpu.memory_space<vmem>>) dst(%dma_wait3A_540 : memref<64x128xf32, #tpu.memory_space<hbm>>)
    return
  }
}

</mosaic_0001>

<sc_bundles>
// kernel: kernel.3.cloned.1.call-start
scs
__scs_entry_jumppad:
0x0: {  	(pc) =	sbr.rel $0x88, $3  }
0x1: {  	(tag) =	ssettag $0x0;
	lr =	simm.s32 $0x1  }
0x2: {  	[smem:$0x3F9F] =	sst lr;
	_ =	strace $0xD0000000  }
0x3: {  	_ = 	snop  }
0x4: {  	_ = 	snop  }
0x5: {  	_ = 	snop  }
0x6: {  	_ = 	snop  }
0x7: {  	_ = 	snop  }
__scs_overlays_trampoline_lowered:
0x8: {  	[smem:$0x3FAE] =	sst s0  }
0x9: {  	[smem:$0x3FAF] =	sst s1  }
0xa: {  	[smem:$0x3FB0] =	sst s2  }
0xb: {  	[smem:$0x3FB1] =	sst s3  }
0xc: {  	[smem:$0x3FB2] =	sst s4  }
0xd: {  	[smem:$0x3FB3] =	sst s5  }
0xe: {  	[smem:$0x3FB4] =	sst s6  }
0xf: {  	[smem:$0x3FB5] =	sst s7  }
0x10: {  	[smem:$0x3FB6] =	sst s8  }
0x11: {  	[smem:$0x3FB7] =	sst s9;
	s0 =	simm.s32 @!p0 $0x0  }
0x12: {  	s1 =	sld [smem:$0x3F9D];
	s0 =	simm.s32 @p0 $0x1  }
0x13: {  	[smem:$0x3FB8] =	sst s0;
	s0 =	simm.s32 @!p1 $0x0  }
0x14: {  	s2 =	sld [smem:$0x3F9C];
	s0 =	simm.s32 @p1 $0x1  }
0x15: {  	[smem:$0x3FB9] =	sst s0;
	s0 =	simm.s32 @!p2 $0x0  }
0x16: {  	s3 =	sld [smem:$0x3FDB];
	s0 =	simm.s32 @p2 $0x1  }
0x17: {  	s4 =	simm.s32 $0x1BF5;
	[smem:$0x3FBB] =	sst s0  }
0x18: {  	s0 =	sld [smem:$0x3F9E];
	_ =	swait.ge [sflag:s4], $0x0  }
0x19: {  	s7 =	sld [smem:$0x3F9F]  }
0x1a: {  	s8 =	sadd.s32 $0xFFFFE003, lr  }
0x1b: {  	s9 =	sadd.s32 $0xFFFFFEF7, lr;
	s5 =	simm.s32 $0xFFFFFFFF;
	p2 =	slt.u32 s8, $0xFFFFF086  }
0x1c: {  	p1 =	slt.u32 s9, $0xF7A;
	s5 =	simm.s32 @!p2 $0x0  }
0x1d: {  	s5 =	simm.s32 @p1 $0x1;
	p0 =	seq.s32 s7, s2  }
0x1e: {  	s7 =	smul.u32 @!p0 $0xF7A, s2;
	p2 =	seq.s32 @!p0 s5, $0x0  }
0x1f: {  	s9 =	smul.u32 $0xF7A, s1;
	s8 =	simm.s32 @!p0 $0x1BF5;
	p2 =	por !p2, p0  }
0x20: {  	[sflag:s8] =	ssyncset.s32 @!p0 $0xFFFFF086;
	s6 =	sadd.s32 @!p0 s3, s7;
	s7 =	simm.s32 @!p0 $0x108  }
0x21: {  	s3 =	sadd.s32 s3, s9;
	s6 =	sadd.s32 @!p0 $0x88, s6;
	s7 =	simm.s32 @p2 $0x1082  }
0x22: {  	[simem:s7], [sflag:s8] =	dma.local @!p0 [hbm:s6], $0xF7A  }
0x23: {  	s9 =	sor.u32 $0xD0000000, s2;
	s6 =	simm.s32 $0x108;
	_ =	swait.ge @!p0 [sflag:s8], $0x0  }
0x24: {  	s3 =	sadd.s32 $0x88, s3;
	s6 =	simm.s32 @!p1 $0x1082;
	[sflag:s4] =	ssyncset.s32 $0xFFFFF086  }
0x25: {  	[simem:s6], [sflag:s4] =	dma.local [hbm:s3], $0xF7A  }
0x26: {  	[smem:$0x3F9F] =	sst s1;
	(tag) =	ssettag s2;
	_ =	strace s9  }
0x27: {  	s1 =	sld [smem:$0x3FAF]  }
0x28: {  	s2 =	sld [smem:$0x3FB0]  }
0x29: {  	s4 =	sld [smem:$0x3FB2]  }
0x2a: {  	p0 =	seq.s32 s5, $0x0;
	s5 =	sld [smem:$0x3FB3]  }
0x2b: {  	s6 =	sld [smem:$0x3FB4]  }
0x2c: {  	s7 =	sld [smem:$0x3FB5]  }
0x2d: {  	s3 =	simm.s32 $0x108;
	s8 =	sld [smem:$0x3FB6]  }
0x2e: {  	s3 =	simm.s32 @!p0 $0x1082;
	s9 =	sld [smem:$0x3FB7]  }
0x2f: {  	lr =	sadd.s32 s0, s3;
	s0 =	sld [smem:$0x3FAE]  }
0x30: {  	s3 =	sld [smem:$0x3FB1]  }
0x31: {  	[smem:$0x3FBA] =	sst s10  }
0x32: {  	s10 =	sld [smem:$0x3FB8];
	_ =	sdelay $0x3  }
0x33: {  	p0 =	seq.s32 s10, $0x1;
	s10 =	sld [smem:$0x3FBA];
	_ =	sdelay $0x3  }
0x34: {  	[smem:$0x3FBA] =	sst s10  }
0x35: {  	s10 =	sld [smem:$0x3FB9];
	_ =	sdelay $0x3  }
0x36: {  	p1 =	seq.s32 s10, $0x1;
	s10 =	sld [smem:$0x3FBA];
	_ =	sdelay $0x3  }
0x37: {  	[smem:$0x3FBA] =	sst s10  }
0x38: {  	s10 =	sld [smem:$0x3FBB]  }
0x39: {  	_ = 	snop;
	(pc) =	sbr.ind lr, $3  }
0x3a: {  	_ = 	snop  }
0x3b: {  	_ = 	snop  }
0x3c: {  	p2 =	seq.s32 s10, $0x1;
	s10 =	sld [smem:$0x3FBA]  }
0x3d: {  	_ =	shalt  }
0x3e: {  	_ =	shalt  }
0x3f: {  	_ =	shalt  }
0x40: {  	_ =	shalt  }
0x41: {  	_ =	shalt  }
0x42: {  	_ =	shalt  }
0x43: {  	_ =	shalt  }
0x44: {  	_ =	shalt  }
0x45: {  	_ =	shalt  }
0x46: {  	_ =	shalt  }
0x47: {  	_ =	shalt  }
0x48: {  	_ =	shalt  }
0x49: {  	_ =	shalt  }
0x4a: {  	_ =	shalt  }
0x4b: {  	_ =	shalt  }
0x4c: {  	_ =	shalt  }
0x4d: {  	_ =	shalt  }
0x4e: {  	_ =	shalt  }
0x4f: {  	_ =	shalt  }
0x50: {  	_ =	shalt  }
0x51: {  	_ =	shalt  }
0x52: {  	_ =	shalt  }
0x53: {  	_ =	shalt  }
0x54: {  	_ =	shalt  }
0x55: {  	_ =	shalt  }
0x56: {  	_ =	shalt  }
0x57: {  	_ =	shalt  }
0x58: {  	_ =	shalt  }
0x59: {  	_ =	shalt  }
0x5a: {  	_ =	shalt  }
0x5b: {  	_ =	shalt  }
0x5c: {  	_ =	shalt  }
0x5d: {  	_ =	shalt  }
0x5e: {  	_ =	shalt  }
0x5f: {  	_ =	shalt  }
0x60: {  	_ =	shalt  }
0x61: {  	_ =	shalt  }
0x62: {  	_ =	shalt  }
0x63: {  	_ =	shalt  }
0x64: {  	_ =	shalt  }
0x65: {  	_ =	shalt  }
0x66: {  	_ =	shalt  }
0x67: {  	_ =	shalt  }
0x68: {  	_ =	shalt  }
0x69: {  	_ =	shalt  }
0x6a: {  	_ =	shalt  }
0x6b: {  	_ =	shalt  }
0x6c: {  	_ =	shalt  }
0x6d: {  	_ =	shalt  }
0x6e: {  	_ =	shalt  }
0x6f: {  	_ =	shalt  }
0x70: {  	_ =	shalt  }
0x71: {  	_ =	shalt  }
0x72: {  	_ =	shalt  }
0x73: {  	_ =	shalt  }
0x74: {  	_ =	shalt  }
0x75: {  	_ =	shalt  }
0x76: {  	_ =	shalt  }
0x77: {  	_ =	shalt  }
0x78: {  	_ =	shalt  }
0x79: {  	_ =	shalt  }
0x7a: {  	_ =	shalt  }
0x7b: {  	_ =	shalt  }
0x7c: {  	_ =	shalt  }
0x7d: {  	_ =	shalt  }
0x7e: {  	_ =	shalt  }
0x7f: {  	_ =	shalt  }
0x80: {  	_ =	shalt  }
0x81: {  	_ =	shalt  }
0x82: {  	_ =	shalt  }
0x83: {  	_ =	shalt  }
0x84: {  	_ =	shalt  }
0x85: {  	_ =	shalt  }
0x86: {  	_ =	shalt  }
0x87: {  	_ =	shalt  }
.Lfunc_end0:
.L_simem_size_0:
called_computation_lowered:
.L_overlay_start_0:
0x88: {  	s2 =	sld [smem:$0x3FD9]  }
0x89: {  	s3 =	sld [smem:$0x3FFE];
	_ =	sdelay $0x1  }
0x8a: {  	s1 =	srdreg.scid  }
0x8b: {  	s0 =	sand.u32 $0x1, s1  }
0x8c: {  	s18 =	sshll.u32 s0, $0xA;
	s2 =	sadd.s32 s3, s2  }
0x8d: {  	s2 =	sadd.s32 s2, s18  }
0x8e: {  	[smem:$0x3FC6] =	sst s2  }
0x8f: {  	_ = 	snop  }
0x90: {  	s2 =	sld [smem:$0x3FC9]  }
0x91: {  	s19 =	sld [smem:$0x3FC8]  }
0x92: {  	s4 =	sld [smem:$0x3FD0];
	(tm) =	ssettm $0x1  }
0x93: {  	s5 =	sld [smem:$0x3FFB];
	_ =	sdelay $0x3  }
0x94: {  	_ =	strace s5  }
0x95: {  	s5 =	sld [smem:$0x3FFC];
	_ =	sdelay $0x3  }
0x96: {  	_ =	strace s5  }
0x97: {  	s5 =	sld [smem:$0x3FFD];
	_ =	sdelay $0x3  }
0x98: {  	_ =	strace s5  }
0x99: {  	_ =	strace $0x8FFFFFFF  }
0x9a: {  	s20 =	sld [smem:$0x3FDB];
	_ =	sdelay $0x1  }
0x9b: {  	s6 =	simm.s32 $_scs_section_size  }
0x9c: {  	s7 =	simm.s32 $_size__tile_overlayer_lowered;
	s8 =	simm.s32 $_tile_overlayer_lowered  }
0x9d: {  	s23 =	simm.s32 $0x1BFF;
	s22 =	sshll.u32 s8, $0x1;
	s5 =	sadd.s32 s6, s20  }
0x9e: {  	s9 =	simm.s32 $0x0;
	s21 =	sshll.u32 s7, $0x1;
	s7 =	sadd.s32 s22, s5  }
0x9f: {  	[timem:s9], [sflag:s23] =	dma.local [hbm:s7], s21  }
0xa0: {  	_ =	swait.ge [sflag:s23], s21  }
0xa1: {  	s6 =	ssub.s32 $0x0, s21;
	[sflag:s23] =	ssyncset.done $0x0  }
0xa2: {  	[sflag:s23] =	ssyncadd.s32 s6;
	_ =	sdelay $0x1  }
0xa3: {  	s24 =	simm.s32 $0x1B8B  }
0xa4: {  	_ =	swait.ge [sflag:s24], $0x1  }
0xa5: {  	[sflag:s24] =	ssyncset.done $0x0  }
0xa6: {  	s25 =	simm.s32 $0x1B8E;
	[sflag:s24] =	ssyncadd.s32 $0xFFFFFFFF  }
0xa7: {  	s26 =	simm.s32 $execute0_lowered;
	[smem:$0x3FD2] =	sst s25  }
0xa8: {  	s6 =	sshll.u32 s26, $0x1;
	_ =	strace $0x80000046;
	[dreg:$0x1] =	wrdreg $0xFFFFFFFF  }
0xa9: {  	s28 =	simm.s32 $_size_execute0_lowered;
	s5 =	sadd.s32 s5, s6;
	[dreg:$0x0] =	wrdreg $0x0  }
0xaa: {  	s6 =	sshll.u32 s28, $0x1;
	[dreg:$0x2] =	wrdreg s5  }
0xab: {  	[dreg:$0x3] =	wrdreg s6  }
0xac: {  	[dreg:$0x4] =	wrdreg $0xC0  }
0xad: {  	_ =	task [dreg:s9], $0x5FFFF  }
0xae: {  	[dreg:$0x1] =	wrdreg $0xFFFFFFFF  }
0xaf: {  	[dreg:$0x0] =	wrdreg $0x60  }
0xb0: {  	[dreg:$0x2] =	wrdreg s2  }
0xb1: {  	[dreg:$0x3] =	wrdreg s19  }
0xb2: {  	[dreg:$0x4] =	wrdreg s4  }
0xb3: {  	[dreg:$0x5] =	wrdreg $0xC800  }
0xb4: {  	[dreg:$0x6] =	wrdreg $0x9  }
0xb5: {  	_ =	task.clear_ibuf [dreg:s9], $0x7FFFF;
	_ =	strace $0x90000046  }
0xb6: {  	s29 =	simm.s32 $0x9;
	_ =	strace $0x80000048  }
0xb7: {  	_ =	swait.ge [sflag:s29], $0x1  }
0xb8: {  	[sflag:s29] =	ssyncadd.s32 $0xFFFFFFFF  }
0xb9: {  	_ =	strace $0x90000048  }
0xba: {  	_ =	sfence  }
0xbb: {  	s30 =	sld [smem:$0x0];
	_ =	sdelay $0x2  }
0xbc: {  	s31 =	sshll.u32 s1, $0xD;
	s1 =	sshrl.u32 s1, $0x2  }
0xbd: {  	s3 =	sand.u32 $0x4000, s31;
	s1 =	sadd.s32 s1, s30  }
0xbe: {  	s0 =	sor.u32 s3, s0;
	s1 =	sshll.u32 s1, $0x11  }
0xbf: {  	s0 =	sor.u32 s1, s0  }
0xc0: {  	s0 =	sadd.s32 $0x8F2B, s0  }
0xc1: {  	[sflag:s0] =	ssyncadd.remote.s32 $0x1  }
0xc2: {  	_ =	sfence.sel $0xFFFF  }
0xc3: {  	[dreg:$0x0] =	wrdreg $0xFFFFFFFF;
	(pc) =	sbr.abs _section_cstart, $3  }
0xc4: {  	[dreg:$0x1] =	wrdreg $0xFFFFFFFF  }
0xc5: {  	_ =	task.clear_ibuf [dreg:s9], $0x2FFFF;
	_ =	strace $0x9FFFFFFF  }
0xc6: {  	(tm) =	ssettm $0x7FFFFFFF  }
0xc7: {  	_ =	shalt  }
tec
execute0_lowered:
.L_overlay_start_1:
0x0: {  	(tag) =	ssettag $0x1  }
0x1: {  	s0 =	srdreg.scid;
	s3 =	stileid.u32  }
0x2: {  	s4 =	rddreg [dreg:$0x0];
	s0 =	sand.u32 $0x1, s0;
	s1 =	sshll.u32 s3, $0x1  }
0x3: {  	s2 =	rddreg [dreg:$0x1];
	s1 =	sor.u32 s0, s1  }
0x4: {  	s5 =	rddreg [dreg:$0x2];
	s1 =	smul.u32 $0xC35, s1  }
0x5: {  	s29 =	rddreg [dreg:$0x4]  }
0x6: {  	[dreg:$0x5] =	wrdreg s2;
	s6 =	sand.u32 $0x1FFF8, s1  }
0x7: {  	s2 =	rddreg [dreg:$0x3];
	s6 =	smin.u32 s6, $0x17A60  }
0x8: {  	s1 =	simm.s32 $0x0;
	s7 =	sshrl.u32 s6, $0x3;
	s6 =	sshll.u32 s6, $0x4  }
0x9: {  	[smem:$0x7FF] =	sst s1;
	s4 =	sadd.s32 s4, s7;
	s26 =	sadd.s32 s5, s6  }
0xa: {  	_ =	strace $0x80000047;
	[dreg:$0x6] =	wrdreg s4;
	s11 =	sadd.s32 $0x800, s26  }
0xb: {  	s12 =	sadd.s32 $0x1000, s26;
	[dreg:$0x7] =	wrdreg s11  }
0xc: {  	s13 =	sadd.s32 $0x1800, s26;
	[dreg:$0x8] =	wrdreg s12  }
0xd: {  	s14 =	sadd.s32 $0x2000, s26;
	[dreg:$0x9] =	wrdreg s13  }
0xe: {  	s15 =	sadd.s32 $0x2800, s26;
	[dreg:$0xa] =	wrdreg s14  }
0xf: {  	s16 =	sadd.s32 $0x3000, s26;
	[dreg:$0xb] =	wrdreg s15  }
0x10: {  	s17 =	sadd.s32 $0x3800, s26;
	[dreg:$0xc] =	wrdreg s16  }
0x11: {  	s18 =	sadd.s32 $0x4000, s26;
	[dreg:$0xd] =	wrdreg s17  }
0x12: {  	s19 =	sadd.s32 $0x4800, s26;
	[dreg:$0xe] =	wrdreg s18  }
0x13: {  	s20 =	sadd.s32 $0x5000, s26;
	[dreg:$0xf] =	wrdreg s19  }
0x14: {  	s21 =	sadd.s32 $0x5800, s26;
	[dreg:$0x10] =	wrdreg s20  }
0x15: {  	s22 =	sadd.s32 $0x6000, s26;
	[dreg:$0x11] =	wrdreg s21  }
0x16: {  	s23 =	sadd.s32 $0x6800, s26;
	[dreg:$0x12] =	wrdreg s22  }
0x17: {  	s24 =	sadd.s32 $0x7000, s26;
	[dreg:$0x13] =	wrdreg s23  }
0x18: {  	s25 =	sadd.s32 $0x7800, s26;
	[dreg:$0x14] =	wrdreg s24  }
0x19: {  	s30 =	sadd.s32 $0x8000, s26;
	[dreg:$0x15] =	wrdreg s25  }
0x1a: {  	s31 =	sadd.s32 $0x8800, s26;
	[dreg:$0x16] =	wrdreg s30  }
0x1b: {  	s5 =	sadd.s32 $0x9000, s26;
	[dreg:$0x17] =	wrdreg s31  }
0x1c: {  	s6 =	sadd.s32 $0x9800, s26;
	[dreg:$0x18] =	wrdreg s5  }
0x1d: {  	s7 =	sadd.s32 $0xA000, s26;
	[dreg:$0x19] =	wrdreg s6  }
0x1e: {  	s8 =	sadd.s32 $0xA800, s26;
	[dreg:$0x1a] =	wrdreg s7  }
0x1f: {  	s9 =	sadd.s32 $0xB000, s26;
	[dreg:$0x1b] =	wrdreg s8  }
0x20: {  	p1 =	por $0x0, $0x0;
	s10 =	sadd.s32 $0xB800, s26;
	[dreg:$0x1c] =	wrdreg s9  }
0x21: {  	p0 =	sne.s32 s3, $0x0;
	[dreg:$0x1d] =	wrdreg s10;
	s12 =	sadd.s32 $0xC000, s26  }
0x22: {  	s3 =	simm.s32 $0xCFA0;
	s13 =	simm.s32 $0x100;
	[dreg:$0x1e] =	wrdreg s12  }
0x23: {  	s0 =	ssub.s32 $0x2, s0;
	s14 =	simm.s32 $0x180;
	[dreg:$0x1f] =	wrdreg s13  }
0x24: {  	s28 =	sshrl.u32 @!p0 s2, $0x3;
	s15 =	simm.s32 $0x200;
	[smem:$0x7E8] =	sst s14  }
0x25: {  	s4 =	simm.s32 $0x2;
	s16 =	simm.s32 $0x280;
	[smem:$0x7E9] =	sst s15  }
0x26: {  	s11 =	sshrl.u32 s0, $0x1;
	s17 =	simm.s32 $0x300;
	[smem:$0x7EA] =	sst s16  }
0x27: {  	s6 =	simm.s32 $0x80;
	s19 =	simm.s32 $0x380;
	[smem:$0x7EB] =	sst s17  }
0x28: {  	s9 =	simm.s32 $0xFA0;
	s20 =	simm.s32 $0x400;
	[smem:$0x7EC] =	sst s19  }
0x29: {  	s7 =	simm.s32 $0x4FA0;
	s21 =	simm.s32 $0x480;
	[smem:$0x7ED] =	sst s20  }
0x2a: {  	s5 =	simm.s32 $0x8FA0;
	s22 =	simm.s32 $0x500;
	[smem:$0x7EE] =	sst s21  }
0x2b: {  	s23 =	simm.s32 $0x580;
	s24 =	simm.s32 $0x600;
	[smem:$0x7EF] =	sst s22  }
0x2c: {  	s25 =	simm.s32 $0x680;
	s30 =	simm.s32 $0x700;
	[smem:$0x7F0] =	sst s23  }
0x2d: {  	s31 =	simm.s32 $0x780;
	s8 =	simm.s32 $0x800;
	[smem:$0x7F1] =	sst s24  }
0x2e: {  	s10 =	simm.s32 $0x880;
	s0 =	ssub.s32 s0, s11;
	[smem:$0x7F2] =	sst s25  }
0x2f: {  	s21 =	simm.s32 $0x10FA0;
	s20 =	simm.s32 $0x14FA0;
	[smem:$0x7F3] =	sst s30  }
0x30: {  	s19 =	simm.s32 $0x18FA0;
	s15 =	simm.s32 $0x1;
	[smem:$0x7F4] =	sst s31  }
0x31: {  	s14 =	simm.s32 $0x3;
	s13 =	simm.s32 $0x4;
	[smem:$0x7F5] =	sst s8  }
0x32: {  	s25 =	simm.s32 $0x5;
	s24 =	simm.s32 $0x6;
	[smem:$0x7F6] =	sst s10  }
0x33: {  	s11 =	simm.s32 $0x900;
	s8 =	simm.s32 $0x8;
	s12 =	simm.s32 $0x980  }
0x34: {  	s22 =	simm.s32 $0xB00;
	s18 =	smax.u32 s0, $0x1;
	[smem:$0x7F7] =	sst s11  }
0x35: {  	s23 =	simm.s32 $0x7;
	[smem:$0x7FB] =	sst s22;
	s22 =	sadd.s32 $0xFFFFFFFF, s18  }
0x36: {  	s16 =	simm.s32 $0xA00;
	[smem:$0x7F8] =	sst s12;
	p2 =	sne.s32 s22, $0x0  }
.Ltmp0:
0x37: {  	s17 =	simm.s32 $0xA80;
	[smem:$0x7F9] =	sst s16;
	(pc) =	sbr.rel @!p2 .LBB2_1-.Ltmp0, $4  }
0x38: {  	s10 =	simm.s32 $0x9;
	s30 =	simm.s32 $0xB80;
	[smem:$0x7FA] =	sst s17  }
0x39: {  	s31 =	simm.s32 $0x40;
	s11 =	simm.s32 $0xA;
	[smem:$0x7FC] =	sst s30  }
0x3a: {  	s12 =	simm.s32 $0xB;
	s16 =	simm.s32 $0xC;
	[smem:$0x7FD] =	sst s31  }
0x3b: {  	s17 =	simm.s32 $0xD;
	s0 =	rddreg [dreg:$0x6];
	s18 =	simm.s32 $0xE  }
0x3c: {  	s31 =	rddreg [dreg:$0x5];
	s29 =	simm.s32 @!p0 $0x1C01;
	s30 =	simm.s32 @!p0 $0x1  }
0x3d: {  	[tilespmem:s1], [sflag:$0x2] =	stream.linear.gather [hbm4b:s0+s1], $0xC40, $0x38;
	[tilespmem:$0x1CFA0] =	vst v63  }
0x3e: {  	[spmem:s28], [sflag:s29] =	dma.local @!p0 [hbm:s31], $0x640  }
0x3f: {  	_ =	swait.ge @!p0 [sflag:s30], $0x640  }
0x40: {  	[sflag:s30] =	ssyncset.done @!p0 $0x0  }
0x41: {  	[sflag:s30] =	ssyncadd.s32 @!p0 $0xFFFFF9C0  }
0x42: {  	[bflag:$0x0] =	sbarrier.arrive $0xFFFF  }
0x43: {  	_ =	swait.ge [sflag:s4], $0xC40  }
0x44: {  	[sflag:s4] =	ssyncset.done $0x0  }
0x45: {  	[sflag:s4] =	ssyncadd.s32 $0xFFFFF3C0  }
0x46: {  	[tilespmem:s9], [sflag:$0x1] =	stream.indirect.gather [spmem:s2], $0x80, s1, s6, $0xb8;
	[tilespmem:$0x1CFA0] =	vst v63  }
0x47: {  	s0 =	rddreg [dreg:$0x1f]  }
0x48: {  	[tilespmem:s7], [sflag:$0x2] =	stream.indirect.gather [spmem:s2], $0x80, s6, s6, $0xb8;
	[tilespmem:$0x1CFA0] =	vst v63  }
0x49: {  	s31 =	sld [smem:$0x7E8]  }
0x4a: {  	[tilespmem:s5], [sflag:$0x3] =	stream.indirect.gather [spmem:s2], $0x80, s0, s6, $0xb8;
	[tilespmem:$0x1CFA0] =	vst v63  }
0x4b: {  	s0 =	sld [smem:$0x7E9]  }
0x4c: {  	[tilespmem:s3], [sflag:$0x4] =	stream.indirect.gather [spmem:s2], $0x80, s31, s6, $0xb8;
	[tilespmem:$0x1CFA0] =	vst v63  }
0x4d: {  	s31 =	sld [smem:$0x7EA]  }
0x4e: {  	[tilespmem:s21], [sflag:$0x5] =	stream.indirect.gather [spmem:s2], $0x80, s0, s6, $0xb8;
	[tilespmem:$0x1CFA0] =	vst v63  }
0x4f: {  	s0 =	sld [smem:$0x7EB]  }
0x50: {  	[tilespmem:s20], [sflag:$0x6] =	stream.indirect.gather [spmem:s2], $0x80, s31, s6, $0xb8;
	[tilespmem:$0x1CFA0] =	vst v63  }
0x51: {  	_ = 	snop  }
0x52: {  	[tilespmem:s19], [sflag:$0x7] =	stream.indirect.gather [spmem:s2], $0x80, s0, s6, $0xb8;
	[tilespmem:$0x1CFA0] =	vst v63  }
0x53: {  	_ =	swait.ge [sflag:s15], $0x4000  }
0x54: {  	[sflag:s15] =	ssyncset.done $0x0  }
0x55: {  	[sflag:s15] =	ssyncadd.s32 $0xFFFFC000  }
0x56: {  	[hbm4b:s26+s1] =	stream.linear.scatter [tilespmem:s9], [sflag:$0x8], $0x4000, $0x38;
	[tilespmem:$0x1CFA0] =	vst v63  }
0x57: {  	_ =	swait.ge [sflag:s4], $0x4000  }
0x58: {  	[sflag:s4] =	ssyncset.done $0x0  }
0x59: {  	s0 =	rddreg [dreg:$0x7];
	[sflag:s4] =	ssyncadd.s32 $0xFFFFC000  }
0x5a: {  	[hbm4b:s0+s1] =	stream.linear.scatter [tilespmem:s7], [sflag:$0x9], $0x4000, $0x38;
	[tilespmem:$0x1CFA0] =	vst v63  }
0x5b: {  	_ =	swait.ge [sflag:s14], $0x4000  }
0x5c: {  	[sflag:s14] =	ssyncset.done $0x0  }
0x5d: {  	s0 =	rddreg [dreg:$0x8];
	[sflag:s14] =	ssyncadd.s32 $0xFFFFC000  }
0x5e: {  	[hbm4b:s0+s1] =	stream.linear.scatter [tilespmem:s5], [sflag:$0xA], $0x4000, $0x38;
	[tilespmem:$0x1CFA0] =	vst v63  }
0x5f: {  	_ =	swait.ge [sflag:s13], $0x4000  }
0x60: {  	[sflag:s13] =	ssyncset.done $0x0  }
0x61: {  	s0 =	rddreg [dreg:$0x9];
	[sflag:s13] =	ssyncadd.s32 $0xFFFFC000  }
0x62: {  	[hbm4b:s0+s1] =	stream.linear.scatter [tilespmem:s3], [sflag:$0xB], $0x4000, $0x38;
	[tilespmem:$0x1CFA0] =	vst v63  }
0x63: {  	_ =	swait.ge [sflag:s25], $0x4000  }
0x64: {  	[sflag:s25] =	ssyncset.done $0x0  }
0x65: {  	s0 =	rddreg [dreg:$0xa];
	[sflag:s25] =	ssyncadd.s32 $0xFFFFC000  }
0x66: {  	[hbm4b:s0+s1] =	stream.linear.scatter [tilespmem:s21], [sflag:$0xC], $0x4000, $0x38;
	[tilespmem:$0x1CFA0] =	vst v63  }
0x67: {  	_ =	swait.ge [sflag:s24], $0x4000  }
0x68: {  	[sflag:s24] =	ssyncset.done $0x0  }
0x69: {  	s0 =	rddreg [dreg:$0xb];
	[sflag:s24] =	ssyncadd.s32 $0xFFFFC000  }
0x6a: {  	[hbm4b:s0+s1] =	stream.linear.scatter [tilespmem:s20], [sflag:$0xD], $0x4000, $0x38;
	[tilespmem:$0x1CFA0] =	vst v63  }
0x6b: {  	_ =	swait.ge [sflag:s8], $0x4000  }
0x6c: {  	s0 =	sld [smem:$0x7EC]  }
0x6d: {  	[sflag:s8] =	ssyncset.done $0x0  }
0x6e: {  	[sflag:s8] =	ssyncadd.s32 $0xFFFFC000  }
0x6f: {  	[tilespmem:s9], [sflag:$0x1] =	stream.indirect.gather [spmem:s2], $0x80, s0, s6, $0xb8;
	[tilespmem:$0x1CFA0] =	vst v63  }
0x70: {  	_ =	swait.ge [sflag:s23], $0x4000  }
0x71: {  	[sflag:s23] =	ssyncset.done $0x0  }
0x72: {  	s0 =	rddreg [dreg:$0xc];
	[sflag:s23] =	ssyncadd.s32 $0xFFFFC000  }
0x73: {  	[hbm4b:s0+s1] =	stream.linear.scatter [tilespmem:s19], [sflag:$0xE], $0x4000, $0x38;
	[tilespmem:$0x1CFA0] =	vst v63  }
0x74: {  	_ =	swait.ge [sflag:s10], $0x4000  }
0x75: {  	s0 =	sld [smem:$0x7ED]  }
0x76: {  	[sflag:s10] =	ssyncset.done $0x0  }
0x77: {  	[sflag:s10] =	ssyncadd.s32 $0xFFFFC000  }
0x78: {  	[tilespmem:s7], [sflag:$0x2] =	stream.indirect.gather [spmem:s2], $0x80, s0, s6, $0xb8;
	[tilespmem:$0x1CFA0] =	vst v63  }
0x79: {  	_ =	swait.ge [sflag:s15], $0x4000  }
0x7a: {  	[sflag:s15] =	ssyncset.done $0x0  }
0x7b: {  	s0 =	rddreg [dreg:$0xd];
	[sflag:s15] =	ssyncadd.s32 $0xFFFFC000  }
0x7c: {  	[hbm4b:s0+s1] =	stream.linear.scatter [tilespmem:s9], [sflag:$0x8], $0x4000, $0x38;
	[tilespmem:$0x1CFA0] =	vst v63  }
0x7d: {  	_ =	swait.ge [sflag:s11], $0x4000  }
0x7e: {  	s0 =	sld [smem:$0x7EE]  }
0x7f: {  	[sflag:s11] =	ssyncset.done $0x0  }
0x80: {  	[sflag:s11] =	ssyncadd.s32 $0xFFFFC000  }
0x81: {  	[tilespmem:s5], [sflag:$0x3] =	stream.indirect.gather [spmem:s2], $0x80, s0, s6, $0xb8;
	[tilespmem:$0x1CFA0] =	vst v63  }
0x82: {  	_ =	swait.ge [sflag:s4], $0x4000  }
0x83: {  	[sflag:s4] =	ssyncset.done $0x0  }
0x84: {  	s0 =	rddreg [dreg:$0xe];
	[sflag:s4] =	ssyncadd.s32 $0xFFFFC000  }
0x85: {  	[hbm4b:s0+s1] =	stream.linear.scatter [tilespmem:s7], [sflag:$0x9], $0x4000, $0x38;
	[tilespmem:$0x1CFA0] =	vst v63  }
0x86: {  	_ =	swait.ge [sflag:s12], $0x4000  }
0x87: {  	s0 =	sld [smem:$0x7EF]  }
0x88: {  	[sflag:s12] =	ssyncset.done $0x0  }
0x89: {  	[sflag:s12] =	ssyncadd.s32 $0xFFFFC000  }
0x8a: {  	[tilespmem:s3], [sflag:$0x4] =	stream.indirect.gather [spmem:s2], $0x80, s0, s6, $0xb8;
	[tilespmem:$0x1CFA0] =	vst v63  }
0x8b: {  	_ =	swait.ge [sflag:s14], $0x4000  }
0x8c: {  	[sflag:s14] =	ssyncset.done $0x0  }
0x8d: {  	s0 =	rddreg [dreg:$0xf];
	[sflag:s14] =	ssyncadd.s32 $0xFFFFC000  }
0x8e: {  	[hbm4b:s0+s1] =	stream.linear.scatter [tilespmem:s5], [sflag:$0xA], $0x4000, $0x38;
	[tilespmem:$0x1CFA0] =	vst v63  }
0x8f: {  	_ =	swait.ge [sflag:s16], $0x4000  }
0x90: {  	s0 =	sld [smem:$0x7F0]  }
0x91: {  	[sflag:s16] =	ssyncset.done $0x0  }
0x92: {  	[sflag:s16] =	ssyncadd.s32 $0xFFFFC000  }
0x93: {  	[tilespmem:s21], [sflag:$0x5] =	stream.indirect.gather [spmem:s2], $0x80, s0, s6, $0xb8;
	[tilespmem:$0x1CFA0] =	vst v63  }
0x94: {  	_ =	swait.ge [sflag:s13], $0x4000  }
0x95: {  	[sflag:s13] =	ssyncset.done $0x0  }
0x96: {  	s0 =	rddreg [dreg:$0x10];
	[sflag:s13] =	ssyncadd.s32 $0xFFFFC000  }
0x97: {  	[hbm4b:s0+s1] =	stream.linear.scatter [tilespmem:s3], [sflag:$0xB], $0x4000, $0x38;
	[tilespmem:$0x1CFA0] =	vst v63  }
0x98: {  	_ =	swait.ge [sflag:s17], $0x4000  }
0x99: {  	s0 =	sld [smem:$0x7F1]  }
0x9a: {  	[sflag:s17] =	ssyncset.done $0x0  }
0x9b: {  	[sflag:s17] =	ssyncadd.s32 $0xFFFFC000  }
0x9c: {  	[tilespmem:s20], [sflag:$0x6] =	stream.indirect.gather [spmem:s2], $0x80, s0, s6, $0xb8;
	[tilespmem:$0x1CFA0] =	vst v63  }
0x9d: {  	_ =	swait.ge [sflag:s25], $0x4000  }
0x9e: {  	[sflag:s25] =	ssyncset.done $0x0  }
0x9f: {  	s0 =	rddreg [dreg:$0x11];
	[sflag:s25] =	ssyncadd.s32 $0xFFFFC000  }
0xa0: {  	[hbm4b:s0+s1] =	stream.linear.scatter [tilespmem:s21], [sflag:$0xC], $0x4000, $0x38;
	[tilespmem:$0x1CFA0] =	vst v63  }
0xa1: {  	_ =	swait.ge [sflag:s18], $0x4000  }
0xa2: {  	s0 =	sld [smem:$0x7F2]  }
0xa3: {  	[sflag:s18] =	ssyncset.done $0x0  }
0xa4: {  	[sflag:s18] =	ssyncadd.s32 $0xFFFFC000  }
0xa5: {  	[tilespmem:s19], [sflag:$0x7] =	stream.indirect.gather [spmem:s2], $0x80, s0, s6, $0xb8;
	[tilespmem:$0x1CFA0] =	vst v63  }
0xa6: {  	_ =	swait.ge [sflag:s24], $0x4000  }
0xa7: {  	[sflag:s24] =	ssyncset.done $0x0  }
0xa8: {  	s0 =	rddreg [dreg:$0x12];
	[sflag:s24] =	ssyncadd.s32 $0xFFFFC000  }
0xa9: {  	[hbm4b:s0+s1] =	stream.linear.scatter [tilespmem:s20], [sflag:$0xD], $0x4000, $0x38;
	[tilespmem:$0x1CFA0] =	vst v63  }
0xaa: {  	_ =	swait.ge [sflag:s8], $0x4000  }
0xab: {  	s0 =	sld [smem:$0x7F3]  }
0xac: {  	[sflag:s8] =	ssyncset.done $0x0  }
0xad: {  	[sflag:s8] =	ssyncadd.s32 $0xFFFFC000  }
0xae: {  	[tilespmem:s9], [sflag:$0x1] =	stream.indirect.gather [spmem:s2], $0x80, s0, s6, $0xb8;
	[tilespmem:$0x1CFA0] =	vst v63  }
0xaf: {  	_ =	swait.ge [sflag:s23], $0x4000  }
0xb0: {  	[sflag:s23] =	ssyncset.done $0x0  }
0xb1: {  	s0 =	rddreg [dreg:$0x13];
	[sflag:s23] =	ssyncadd.s32 $0xFFFFC000  }
0xb2: {  	[hbm4b:s0+s1] =	stream.linear.scatter [tilespmem:s19], [sflag:$0xE], $0x4000, $0x38;
	[tilespmem:$0x1CFA0] =	vst v63  }
0xb3: {  	_ =	swait.ge [sflag:s10], $0x4000  }
0xb4: {  	s0 =	sld [smem:$0x7F4]  }
0xb5: {  	[sflag:s10] =	ssyncset.done $0x0  }
0xb6: {  	[sflag:s10] =	ssyncadd.s32 $0xFFFFC000  }
0xb7: {  	[tilespmem:s7], [sflag:$0x2] =	stream.indirect.gather [spmem:s2], $0x80, s0, s6, $0xb8;
	[tilespmem:$0x1CFA0] =	vst v63  }
0xb8: {  	_ =	swait.ge [sflag:s15], $0x4000  }
0xb9: {  	[sflag:s15] =	ssyncset.done $0x0  }
0xba: {  	s0 =	rddreg [dreg:$0x14];
	[sflag:s15] =	ssyncadd.s32 $0xFFFFC000  }
0xbb: {  	[hbm4b:s0+s1] =	stream.linear.scatter [tilespmem:s9], [sflag:$0x8], $0x4000, $0x38;
	[tilespmem:$0x1CFA0] =	vst v63  }
0xbc: {  	_ =	swait.ge [sflag:s11], $0x4000  }
0xbd: {  	s0 =	sld [smem:$0x7F5]  }
0xbe: {  	[sflag:s11] =	ssyncset.done $0x0  }
0xbf: {  	[sflag:s11] =	ssyncadd.s32 $0xFFFFC000  }
0xc0: {  	[tilespmem:s5], [sflag:$0x3] =	stream.indirect.gather [spmem:s2], $0x80, s0, s6, $0xb8;
	[tilespmem:$0x1CFA0] =	vst v63  }
0xc1: {  	_ =	swait.ge [sflag:s4], $0x4000  }
0xc2: {  	[sflag:s4] =	ssyncset.done $0x0  }
0xc3: {  	s0 =	rddreg [dreg:$0x15];
	[sflag:s4] =	ssyncadd.s32 $0xFFFFC000  }
0xc4: {  	[hbm4b:s0+s1] =	stream.linear.scatter [tilespmem:s7], [sflag:$0x9], $0x4000, $0x38;
	[tilespmem:$0x1CFA0] =	vst v63  }
0xc5: {  	_ =	swait.ge [sflag:s12], $0x4000  }
0xc6: {  	s0 =	sld [smem:$0x7F6]  }
0xc7: {  	[sflag:s12] =	ssyncset.done $0x0  }
0xc8: {  	[sflag:s12] =	ssyncadd.s32 $0xFFFFC000  }
0xc9: {  	[tilespmem:s3], [sflag:$0x4] =	stream.indirect.gather [spmem:s2], $0x80, s0, s6, $0xb8;
	[tilespmem:$0x1CFA0] =	vst v63  }
0xca: {  	_ =	swait.ge [sflag:s14], $0x4000  }
0xcb: {  	[sflag:s14] =	ssyncset.done $0x0  }
0xcc: {  	s0 =	rddreg [dreg:$0x16];
	[sflag:s14] =	ssyncadd.s32 $0xFFFFC000  }
0xcd: {  	[hbm4b:s0+s1] =	stream.linear.scatter [tilespmem:s5], [sflag:$0xA], $0x4000, $0x38;
	[tilespmem:$0x1CFA0] =	vst v63  }
0xce: {  	_ =	swait.ge [sflag:s16], $0x4000  }
0xcf: {  	s0 =	sld [smem:$0x7F7]  }
0xd0: {  	[sflag:s16] =	ssyncset.done $0x0  }
0xd1: {  	[sflag:s16] =	ssyncadd.s32 $0xFFFFC000  }
0xd2: {  	[tilespmem:s21], [sflag:$0x5] =	stream.indirect.gather [spmem:s2], $0x80, s0, s6, $0xb8;
	[tilespmem:$0x1CFA0] =	vst v63  }
0xd3: {  	_ =	swait.ge [sflag:s13], $0x4000  }
0xd4: {  	[sflag:s13] =	ssyncset.done $0x0  }
0xd5: {  	s0 =	rddreg [dreg:$0x17];
	[sflag:s13] =	ssyncadd.s32 $0xFFFFC000  }
0xd6: {  	[hbm4b:s0+s1] =	stream.linear.scatter [tilespmem:s3], [sflag:$0xB], $0x4000, $0x38;
	[tilespmem:$0x1CFA0] =	vst v63  }
0xd7: {  	_ =	swait.ge [sflag:s17], $0x4000  }
0xd8: {  	s0 =	sld [smem:$0x7F8]  }
0xd9: {  	[sflag:s17] =	ssyncset.done $0x0  }
0xda: {  	[sflag:s17] =	ssyncadd.s32 $0xFFFFC000  }
0xdb: {  	[tilespmem:s20], [sflag:$0x6] =	stream.indirect.gather [spmem:s2], $0x80, s0, s6, $0xb8;
	[tilespmem:$0x1CFA0] =	vst v63  }
0xdc: {  	_ =	swait.ge [sflag:s25], $0x4000  }
0xdd: {  	[sflag:s25] =	ssyncset.done $0x0  }
0xde: {  	s0 =	rddreg [dreg:$0x18];
	[sflag:s25] =	ssyncadd.s32 $0xFFFFC000  }
0xdf: {  	[hbm4b:s0+s1] =	stream.linear.scatter [tilespmem:s21], [sflag:$0xC], $0x4000, $0x38;
	[tilespmem:$0x1CFA0] =	vst v63  }
0xe0: {  	_ =	swait.ge [sflag:s18], $0x4000  }
0xe1: {  	s0 =	sld [smem:$0x7F9]  }
0xe2: {  	[sflag:s18] =	ssyncset.done $0x0  }
0xe3: {  	[sflag:s18] =	ssyncadd.s32 $0xFFFFC000  }
0xe4: {  	[tilespmem:s19], [sflag:$0x7] =	stream.indirect.gather [spmem:s2], $0x80, s0, s6, $0xb8;
	[tilespmem:$0x1CFA0] =	vst v63  }
0xe5: {  	_ =	swait.ge [sflag:s24], $0x4000  }
0xe6: {  	[sflag:s24] =	ssyncset.done $0x0  }
0xe7: {  	s0 =	rddreg [dreg:$0x19];
	[sflag:s24] =	ssyncadd.s32 $0xFFFFC000  }
0xe8: {  	[hbm4b:s0+s1] =	stream.linear.scatter [tilespmem:s20], [sflag:$0xD], $0x4000, $0x38;
	[tilespmem:$0x1CFA0] =	vst v63  }
0xe9: {  	_ =	swait.ge [sflag:s8], $0x4000  }
0xea: {  	s0 =	sld [smem:$0x7FA]  }
0xeb: {  	[sflag:s8] =	ssyncset.done $0x0  }
0xec: {  	[sflag:s8] =	ssyncadd.s32 $0xFFFFC000  }
0xed: {  	[tilespmem:s9], [sflag:$0x1] =	stream.indirect.gather [spmem:s2], $0x80, s0, s6, $0xb8;
	[tilespmem:$0x1CFA0] =	vst v63  }
0xee: {  	_ =	swait.ge [sflag:s23], $0x4000  }
0xef: {  	[sflag:s23] =	ssyncset.done $0x0  }
0xf0: {  	s0 =	rddreg [dreg:$0x1a];
	[sflag:s23] =	ssyncadd.s32 $0xFFFFC000  }
0xf1: {  	[hbm4b:s0+s1] =	stream.linear.scatter [tilespmem:s19], [sflag:$0xE], $0x4000, $0x38;
	[tilespmem:$0x1CFA0] =	vst v63  }
0xf2: {  	_ =	swait.ge [sflag:s10], $0x4000  }
0xf3: {  	s0 =	sld [smem:$0x7FB]  }
0xf4: {  	[sflag:s10] =	ssyncset.done $0x0  }
0xf5: {  	[sflag:s10] =	ssyncadd.s32 $0xFFFFC000  }
0xf6: {  	[tilespmem:s7], [sflag:$0x2] =	stream.indirect.gather [spmem:s2], $0x80, s0, s6, $0xb8;
	[tilespmem:$0x1CFA0] =	vst v63  }
0xf7: {  	_ =	swait.ge [sflag:s15], $0x4000  }
0xf8: {  	[sflag:s15] =	ssyncset.done $0x0  }
0xf9: {  	s0 =	rddreg [dreg:$0x1b];
	[sflag:s15] =	ssyncadd.s32 $0xFFFFC000  }
0xfa: {  	[hbm4b:s0+s1] =	stream.linear.scatter [tilespmem:s9], [sflag:$0x8], $0x4000, $0x38;
	[tilespmem:$0x1CFA0] =	vst v63  }
0xfb: {  	_ =	swait.ge [sflag:s11], $0x4000  }
0xfc: {  	s0 =	sld [smem:$0x7FC]  }
0xfd: {  	[sflag:s11] =	ssyncset.done $0x0  }
0xfe: {  	[sflag:s11] =	ssyncadd.s32 $0xFFFFC000  }
0xff: {  	[tilespmem:s5], [sflag:$0x3] =	stream.indirect.gather [spmem:s2], $0x80, s0, s6, $0xb8;
	[tilespmem:$0x1CFA0] =	vst v63  }
0x100: {  	_ =	swait.ge [sflag:s4], $0x4000  }
0x101: {  	[sflag:s4] =	ssyncset.done $0x0  }
0x102: {  	s0 =	rddreg [dreg:$0x1c];
	[sflag:s4] =	ssyncadd.s32 $0xFFFFC000  }
0x103: {  	[hbm4b:s0+s1] =	stream.linear.scatter [tilespmem:s7], [sflag:$0x9], $0x4000, $0x38;
	[tilespmem:$0x1CFA0] =	vst v63  }
0x104: {  	_ =	swait.ge [sflag:s12], $0x4000  }
0x105: {  	s0 =	sld [smem:$0x7FD]  }
0x106: {  	[sflag:s12] =	ssyncset.done $0x0  }
0x107: {  	s31 =	simm.s32 $0xC00;
	[sflag:s12] =	ssyncadd.s32 $0xFFFFC000  }
0x108: {  	[tilespmem:s3], [sflag:$0x4] =	stream.indirect.gather [spmem:s2], $0x80, s31, s0, $0xb8;
	[tilespmem:$0x1CFA0] =	vst v63  }
0x109: {  	_ =	swait.ge [sflag:s14], $0x4000  }
0x10a: {  	[sflag:s14] =	ssyncset.done $0x0  }
0x10b: {  	s0 =	rddreg [dreg:$0x1d];
	[sflag:s14] =	ssyncadd.s32 $0xFFFFC000  }
0x10c: {  	[hbm4b:s0+s1] =	stream.linear.scatter [tilespmem:s5], [sflag:$0xA], $0x4000, $0x38;
	[tilespmem:$0x1CFA0] =	vst v63  }
0x10d: {  	_ =	swait.ge [sflag:s13], $0x2000  }
0x10e: {  	[sflag:s13] =	ssyncset.done $0x0  }
0x10f: {  	s0 =	rddreg [dreg:$0x1e];
	[sflag:s13] =	ssyncadd.s32 $0xFFFFE000  }
0x110: {  	[hbm4b:s0+s1] =	stream.linear.scatter [tilespmem:s3], [sflag:$0xB], $0x2000, $0x38;
	[tilespmem:$0x1CFA0] =	vst v63  }
0x111: {  	_ =	swait.ge [sflag:s16], $0x4000  }
0x112: {  	[sflag:s16] =	ssyncset.done $0x0  }
0x113: {  	[sflag:s16] =	ssyncadd.s32 $0xFFFFC000  }
0x114: {  	_ =	swait.ge [sflag:s17], $0x4000  }
0x115: {  	[sflag:s17] =	ssyncset.done $0x0  }
0x116: {  	[sflag:s17] =	ssyncadd.s32 $0xFFFFC000  }
0x117: {  	_ =	swait.ge [sflag:s18], $0x4000  }
0x118: {  	[sflag:s18] =	ssyncset.done $0x0  }
0x119: {  	[sflag:s18] =	ssyncadd.s32 $0xFFFFC000  }
0x11a: {  	_ =	swait.ge [sflag:s8], $0x4000  }
0x11b: {  	[sflag:s8] =	ssyncset.done $0x0  }
0x11c: {  	[sflag:s8] =	ssyncadd.s32 $0xFFFFC000  }
0x11d: {  	_ =	swait.ge [sflag:s10], $0x4000  }
0x11e: {  	s31 =	sadd.s32 $0xFFFFFFFF, s22;
	[sflag:s10] =	ssyncset.done $0x0  }
0x11f: {  	p2 =	sne.s32 s31, $0x0;
	[sflag:s10] =	ssyncadd.s32 $0xFFFFC000  }
.Ltmp1:
0x120: {  	_ =	swait.ge [sflag:s11], $0x4000;
	(pc) =	sbr.rel @!p2 .LBB2_3-.Ltmp1, $4  }
0x121: {  	[sflag:s11] =	ssyncset.done $0x0  }
0x122: {  	[sflag:s11] =	ssyncadd.s32 $0xFFFFC000  }
0x123: {  	_ =	swait.ge [sflag:s12], $0x2000  }
0x124: {  	p1 =	por $0x1, $0x1;
	s0 =	rddreg [dreg:$0x6];
	[sflag:s12] =	ssyncset.done $0x0  }
.LBB2_4:
0x125: {  	s22 =	rddreg [dreg:$0x5];
	[sflag:s12] =	ssyncadd.s32 $0xFFFFE000  }
0x126: {  	[tilespmem:s1], [sflag:$0x2] =	stream.linear.gather [hbm4b:s0+s1], $0xC40, $0x38;
	[tilespmem:$0x1CFA0] =	vst v63  }
0x127: {  	[spmem:s28], [sflag:s29] =	dma.local @!p0 [hbm:s22], $0x640  }
0x128: {  	_ =	swait.ge @!p0 [sflag:s30], $0x640  }
0x129: {  	[sflag:s30] =	ssyncset.done @!p0 $0x0  }
0x12a: {  	[sflag:s30] =	ssyncadd.s32 @!p0 $0xFFFFF9C0  }
0x12b: {  	[bflag:$0x0] =	sbarrier.arrive $0xFFFF  }
0x12c: {  	_ =	swait.ge [sflag:s4], $0xC40  }
0x12d: {  	[sflag:s4] =	ssyncset.done $0x0  }
0x12e: {  	[sflag:s4] =	ssyncadd.s32 $0xFFFFF3C0  }
0x12f: {  	[tilespmem:s9], [sflag:$0x1] =	stream.indirect.gather [spmem:s2], $0x80, s1, s6, $0xb8;
	[tilespmem:$0x1CFA0] =	vst v63  }
0x130: {  	s0 =	rddreg [dreg:$0x1f]  }
0x131: {  	[tilespmem:s7], [sflag:$0x2] =	stream.indirect.gather [spmem:s2], $0x80, s6, s6, $0xb8;
	[tilespmem:$0x1CFA0] =	vst v63  }
0x132: {  	s22 =	sld [smem:$0x7E8]  }
0x133: {  	[tilespmem:s5], [sflag:$0x3] =	stream.indirect.gather [spmem:s2], $0x80, s0, s6, $0xb8;
	[tilespmem:$0x1CFA0] =	vst v63  }
0x134: {  	s0 =	sld [smem:$0x7E9]  }
0x135: {  	[tilespmem:s3], [sflag:$0x4] =	stream.indirect.gather [spmem:s2], $0x80, s22, s6, $0xb8;
	[tilespmem:$0x1CFA0] =	vst v63  }
0x136: {  	s22 =	sld [smem:$0x7EA]  }
0x137: {  	[tilespmem:s21], [sflag:$0x5] =	stream.indirect.gather [spmem:s2], $0x80, s0, s6, $0xb8;
	[tilespmem:$0x1CFA0] =	vst v63  }
0x138: {  	s0 =	sld [smem:$0x7EB]  }
0x139: {  	[tilespmem:s20], [sflag:$0x6] =	stream.indirect.gather [spmem:s2], $0x80, s22, s6, $0xb8;
	[tilespmem:$0x1CFA0] =	vst v63  }
0x13a: {  	_ = 	snop  }
0x13b: {  	[tilespmem:s19], [sflag:$0x7] =	stream.indirect.gather [spmem:s2], $0x80, s0, s6, $0xb8;
	[tilespmem:$0x1CFA0] =	vst v63  }
0x13c: {  	_ =	swait.ge [sflag:s15], $0x4000  }
0x13d: {  	[sflag:s15] =	ssyncset.done $0x0  }
0x13e: {  	[sflag:s15] =	ssyncadd.s32 $0xFFFFC000  }
0x13f: {  	[hbm4b:s26+s1] =	stream.linear.scatter [tilespmem:s9], [sflag:$0x8], $0x4000, $0x38;
	[tilespmem:$0x1CFA0] =	vst v63  }
0x140: {  	_ =	swait.ge [sflag:s4], $0x4000  }
0x141: {  	[sflag:s4] =	ssyncset.done $0x0  }
0x142: {  	s0 =	rddreg [dreg:$0x7];
	[sflag:s4] =	ssyncadd.s32 $0xFFFFC000  }
0x143: {  	[hbm4b:s0+s1] =	stream.linear.scatter [tilespmem:s7], [sflag:$0x9], $0x4000, $0x38;
	[tilespmem:$0x1CFA0] =	vst v63  }
0x144: {  	_ =	swait.ge [sflag:s14], $0x4000  }
0x145: {  	[sflag:s14] =	ssyncset.done $0x0  }
0x146: {  	s0 =	rddreg [dreg:$0x8];
	[sflag:s14] =	ssyncadd.s32 $0xFFFFC000  }
0x147: {  	[hbm4b:s0+s1] =	stream.linear.scatter [tilespmem:s5], [sflag:$0xA], $0x4000, $0x38;
	[tilespmem:$0x1CFA0] =	vst v63  }
0x148: {  	_ =	swait.ge [sflag:s13], $0x4000  }
0x149: {  	[sflag:s13] =	ssyncset.done $0x0  }
0x14a: {  	s0 =	rddreg [dreg:$0x9];
	[sflag:s13] =	ssyncadd.s32 $0xFFFFC000  }
0x14b: {  	[hbm4b:s0+s1] =	stream.linear.scatter [tilespmem:s3], [sflag:$0xB], $0x4000, $0x38;
	[tilespmem:$0x1CFA0] =	vst v63  }
0x14c: {  	_ =	swait.ge [sflag:s25], $0x4000  }
0x14d: {  	[sflag:s25] =	ssyncset.done $0x0  }
0x14e: {  	s0 =	rddreg [dreg:$0xa];
	[sflag:s25] =	ssyncadd.s32 $0xFFFFC000  }
0x14f: {  	[hbm4b:s0+s1] =	stream.linear.scatter [tilespmem:s21], [sflag:$0xC], $0x4000, $0x38;
	[tilespmem:$0x1CFA0] =	vst v63  }
0x150: {  	_ =	swait.ge [sflag:s24], $0x4000  }
0x151: {  	[sflag:s24] =	ssyncset.done $0x0  }
0x152: {  	s0 =	rddreg [dreg:$0xb];
	[sflag:s24] =	ssyncadd.s32 $0xFFFFC000  }
0x153: {  	[hbm4b:s0+s1] =	stream.linear.scatter [tilespmem:s20], [sflag:$0xD], $0x4000, $0x38;
	[tilespmem:$0x1CFA0] =	vst v63  }
0x154: {  	_ =	swait.ge [sflag:s8], $0x4000  }
0x155: {  	s0 =	sld [smem:$0x7EC]  }
0x156: {  	[sflag:s8] =	ssyncset.done $0x0  }
0x157: {  	[sflag:s8] =	ssyncadd.s32 $0xFFFFC000  }
0x158: {  	[tilespmem:s9], [sflag:$0x1] =	stream.indirect.gather [spmem:s2], $0x80, s0, s6, $0xb8;
	[tilespmem:$0x1CFA0] =	vst v63  }
0x159: {  	_ =	swait.ge [sflag:s23], $0x4000  }
0x15a: {  	[sflag:s23] =	ssyncset.done $0x0  }
0x15b: {  	s0 =	rddreg [dreg:$0xc];
	[sflag:s23] =	ssyncadd.s32 $0xFFFFC000  }
0x15c: {  	[hbm4b:s0+s1] =	stream.linear.scatter [tilespmem:s19], [sflag:$0xE], $0x4000, $0x38;
	[tilespmem:$0x1CFA0] =	vst v63  }
0x15d: {  	_ =	swait.ge [sflag:s10], $0x4000  }
0x15e: {  	s0 =	sld [smem:$0x7ED]  }
0x15f: {  	[sflag:s10] =	ssyncset.done $0x0  }
0x160: {  	[sflag:s10] =	ssyncadd.s32 $0xFFFFC000  }
0x161: {  	[tilespmem:s7], [sflag:$0x2] =	stream.indirect.gather [spmem:s2], $0x80, s0, s6, $0xb8;
	[tilespmem:$0x1CFA0] =	vst v63  }
0x162: {  	_ =	swait.ge [sflag:s15], $0x4000  }
0x163: {  	[sflag:s15] =	ssyncset.done $0x0  }
0x164: {  	s0 =	rddreg [dreg:$0xd];
	[sflag:s15] =	ssyncadd.s32 $0xFFFFC000  }
0x165: {  	[hbm4b:s0+s1] =	stream.linear.scatter [tilespmem:s9], [sflag:$0x8], $0x4000, $0x38;
	[tilespmem:$0x1CFA0] =	vst v63  }
0x166: {  	_ =	swait.ge [sflag:s11], $0x4000  }
0x167: {  	s0 =	sld [smem:$0x7EE]  }
0x168: {  	[sflag:s11] =	ssyncset.done $0x0  }
0x169: {  	[sflag:s11] =	ssyncadd.s32 $0xFFFFC000  }
0x16a: {  	[tilespmem:s5], [sflag:$0x3] =	stream.indirect.gather [spmem:s2], $0x80, s0, s6, $0xb8;
	[tilespmem:$0x1CFA0] =	vst v63  }
0x16b: {  	_ =	swait.ge [sflag:s4], $0x4000  }
0x16c: {  	[sflag:s4] =	ssyncset.done $0x0  }
0x16d: {  	s0 =	rddreg [dreg:$0xe];
	[sflag:s4] =	ssyncadd.s32 $0xFFFFC000  }
0x16e: {  	[hbm4b:s0+s1] =	stream.linear.scatter [tilespmem:s7], [sflag:$0x9], $0x4000, $0x38;
	[tilespmem:$0x1CFA0] =	vst v63  }
0x16f: {  	_ =	swait.ge [sflag:s12], $0x4000  }
0x170: {  	s0 =	sld [smem:$0x7EF]  }
0x171: {  	[sflag:s12] =	ssyncset.done $0x0  }
0x172: {  	[sflag:s12] =	ssyncadd.s32 $0xFFFFC000  }
0x173: {  	[tilespmem:s3], [sflag:$0x4] =	stream.indirect.gather [spmem:s2], $0x80, s0, s6, $0xb8;
	[tilespmem:$0x1CFA0] =	vst v63  }
0x174: {  	_ =	swait.ge [sflag:s14], $0x4000  }
0x175: {  	[sflag:s14] =	ssyncset.done $0x0  }
0x176: {  	s0 =	rddreg [dreg:$0xf];
	[sflag:s14] =	ssyncadd.s32 $0xFFFFC000  }
0x177: {  	[hbm4b:s0+s1] =	stream.linear.scatter [tilespmem:s5], [sflag:$0xA], $0x4000, $0x38;
	[tilespmem:$0x1CFA0] =	vst v63  }
0x178: {  	_ =	swait.ge [sflag:s16], $0x4000  }
0x179: {  	s0 =	sld [smem:$0x7F0]  }
0x17a: {  	[sflag:s16] =	ssyncset.done $0x0  }
0x17b: {  	[sflag:s16] =	ssyncadd.s32 $0xFFFFC000  }
0x17c: {  	[tilespmem:s21], [sflag:$0x5] =	stream.indirect.gather [spmem:s2], $0x80, s0, s6, $0xb8;
	[tilespmem:$0x1CFA0] =	vst v63  }
0x17d: {  	_ =	swait.ge [sflag:s13], $0x4000  }
0x17e: {  	[sflag:s13] =	ssyncset.done $0x0  }
0x17f: {  	s0 =	rddreg [dreg:$0x10];
	[sflag:s13] =	ssyncadd.s32 $0xFFFFC000  }
0x180: {  	[hbm4b:s0+s1] =	stream.linear.scatter [tilespmem:s3], [sflag:$0xB], $0x4000, $0x38;
	[tilespmem:$0x1CFA0] =	vst v63  }
0x181: {  	_ =	swait.ge [sflag:s17], $0x4000  }
0x182: {  	s0 =	sld [smem:$0x7F1]  }
0x183: {  	[sflag:s17] =	ssyncset.done $0x0  }
0x184: {  	[sflag:s17] =	ssyncadd.s32 $0xFFFFC000  }
0x185: {  	[tilespmem:s20], [sflag:$0x6] =	stream.indirect.gather [spmem:s2], $0x80, s0, s6, $0xb8;
	[tilespmem:$0x1CFA0] =	vst v63  }
0x186: {  	_ =	swait.ge [sflag:s25], $0x4000  }
0x187: {  	[sflag:s25] =	ssyncset.done $0x0  }
0x188: {  	s0 =	rddreg [dreg:$0x11];
	[sflag:s25] =	ssyncadd.s32 $0xFFFFC000  }
0x189: {  	[hbm4b:s0+s1] =	stream.linear.scatter [tilespmem:s21], [sflag:$0xC], $0x4000, $0x38;
	[tilespmem:$0x1CFA0] =	vst v63  }
0x18a: {  	_ =	swait.ge [sflag:s18], $0x4000  }
0x18b: {  	s0 =	sld [smem:$0x7F2]  }
0x18c: {  	[sflag:s18] =	ssyncset.done $0x0  }
0x18d: {  	[sflag:s18] =	ssyncadd.s32 $0xFFFFC000  }
0x18e: {  	[tilespmem:s19], [sflag:$0x7] =	stream.indirect.gather [spmem:s2], $0x80, s0, s6, $0xb8;
	[tilespmem:$0x1CFA0] =	vst v63  }
0x18f: {  	_ =	swait.ge [sflag:s24], $0x4000  }
0x190: {  	[sflag:s24] =	ssyncset.done $0x0  }
0x191: {  	s0 =	rddreg [dreg:$0x12];
	[sflag:s24] =	ssyncadd.s32 $0xFFFFC000  }
0x192: {  	[hbm4b:s0+s1] =	stream.linear.scatter [tilespmem:s20], [sflag:$0xD], $0x4000, $0x38;
	[tilespmem:$0x1CFA0] =	vst v63  }
0x193: {  	_ =	swait.ge [sflag:s8], $0x4000  }
0x194: {  	s0 =	sld [smem:$0x7F3]  }
0x195: {  	[sflag:s8] =	ssyncset.done $0x0  }
0x196: {  	[sflag:s8] =	ssyncadd.s32 $0xFFFFC000  }
0x197: {  	[tilespmem:s9], [sflag:$0x1] =	stream.indirect.gather [spmem:s2], $0x80, s0, s6, $0xb8;
	[tilespmem:$0x1CFA0] =	vst v63  }
0x198: {  	_ =	swait.ge [sflag:s23], $0x4000  }
0x199: {  	[sflag:s23] =	ssyncset.done $0x0  }
0x19a: {  	s0 =	rddreg [dreg:$0x13];
	[sflag:s23] =	ssyncadd.s32 $0xFFFFC000  }
0x19b: {  	[hbm4b:s0+s1] =	stream.linear.scatter [tilespmem:s19], [sflag:$0xE], $0x4000, $0x38;
	[tilespmem:$0x1CFA0] =	vst v63  }
0x19c: {  	_ =	swait.ge [sflag:s10], $0x4000  }
0x19d: {  	s0 =	sld [smem:$0x7F4]  }
0x19e: {  	[sflag:s10] =	ssyncset.done $0x0  }
0x19f: {  	[sflag:s10] =	ssyncadd.s32 $0xFFFFC000  }
0x1a0: {  	[tilespmem:s7], [sflag:$0x2] =	stream.indirect.gather [spmem:s2], $0x80, s0, s6, $0xb8;
	[tilespmem:$0x1CFA0] =	vst v63  }
0x1a1: {  	_ =	swait.ge [sflag:s15], $0x4000  }
0x1a2: {  	[sflag:s15] =	ssyncset.done $0x0  }
0x1a3: {  	s0 =	rddreg [dreg:$0x14];
	[sflag:s15] =	ssyncadd.s32 $0xFFFFC000  }
0x1a4: {  	[hbm4b:s0+s1] =	stream.linear.scatter [tilespmem:s9], [sflag:$0x8], $0x4000, $0x38;
	[tilespmem:$0x1CFA0] =	vst v63  }
0x1a5: {  	_ =	swait.ge [sflag:s11], $0x4000  }
0x1a6: {  	s0 =	sld [smem:$0x7F5]  }
0x1a7: {  	[sflag:s11] =	ssyncset.done $0x0  }
0x1a8: {  	[sflag:s11] =	ssyncadd.s32 $0xFFFFC000  }
0x1a9: {  	[tilespmem:s5], [sflag:$0x3] =	stream.indirect.gather [spmem:s2], $0x80, s0, s6, $0xb8;
	[tilespmem:$0x1CFA0] =	vst v63  }
0x1aa: {  	_ =	swait.ge [sflag:s4], $0x4000  }
0x1ab: {  	[sflag:s4] =	ssyncset.done $0x0  }
0x1ac: {  	s0 =	rddreg [dreg:$0x15];
	[sflag:s4] =	ssyncadd.s32 $0xFFFFC000  }
0x1ad: {  	[hbm4b:s0+s1] =	stream.linear.scatter [tilespmem:s7], [sflag:$0x9], $0x4000, $0x38;
	[tilespmem:$0x1CFA0] =	vst v63  }
0x1ae: {  	_ =	swait.ge [sflag:s12], $0x4000  }
0x1af: {  	s0 =	sld [smem:$0x7F6]  }
0x1b0: {  	[sflag:s12] =	ssyncset.done $0x0  }
0x1b1: {  	[sflag:s12] =	ssyncadd.s32 $0xFFFFC000  }
0x1b2: {  	[tilespmem:s3], [sflag:$0x4] =	stream.indirect.gather [spmem:s2], $0x80, s0, s6, $0xb8;
	[tilespmem:$0x1CFA0] =	vst v63  }
0x1b3: {  	_ =	swait.ge [sflag:s14], $0x4000  }
0x1b4: {  	[sflag:s14] =	ssyncset.done $0x0  }
0x1b5: {  	s0 =	rddreg [dreg:$0x16];
	[sflag:s14] =	ssyncadd.s32 $0xFFFFC000  }
0x1b6: {  	[hbm4b:s0+s1] =	stream.linear.scatter [tilespmem:s5], [sflag:$0xA], $0x4000, $0x38;
	[tilespmem:$0x1CFA0] =	vst v63  }
0x1b7: {  	_ =	swait.ge [sflag:s16], $0x4000  }
0x1b8: {  	s0 =	sld [smem:$0x7F7]  }
0x1b9: {  	[sflag:s16] =	ssyncset.done $0x0  }
0x1ba: {  	[sflag:s16] =	ssyncadd.s32 $0xFFFFC000  }
0x1bb: {  	[tilespmem:s21], [sflag:$0x5] =	stream.indirect.gather [spmem:s2], $0x80, s0, s6, $0xb8;
	[tilespmem:$0x1CFA0] =	vst v63  }
0x1bc: {  	_ =	swait.ge [sflag:s13], $0x4000  }
0x1bd: {  	[sflag:s13] =	ssyncset.done $0x0  }
0x1be: {  	s0 =	rddreg [dreg:$0x17];
	[sflag:s13] =	ssyncadd.s32 $0xFFFFC000  }
0x1bf: {  	[hbm4b:s0+s1] =	stream.linear.scatter [tilespmem:s3], [sflag:$0xB], $0x4000, $0x38;
	[tilespmem:$0x1CFA0] =	vst v63  }
0x1c0: {  	_ =	swait.ge [sflag:s17], $0x4000  }
0x1c1: {  	s0 =	sld [smem:$0x7F8]  }
0x1c2: {  	[sflag:s17] =	ssyncset.done $0x0  }
0x1c3: {  	[sflag:s17] =	ssyncadd.s32 $0xFFFFC000  }
0x1c4: {  	[tilespmem:s20], [sflag:$0x6] =	stream.indirect.gather [spmem:s2], $0x80, s0, s6, $0xb8;
	[tilespmem:$0x1CFA0] =	vst v63  }
0x1c5: {  	_ =	swait.ge [sflag:s25], $0x4000  }
0x1c6: {  	[sflag:s25] =	ssyncset.done $0x0  }
0x1c7: {  	s0 =	rddreg [dreg:$0x18];
	[sflag:s25] =	ssyncadd.s32 $0xFFFFC000  }
0x1c8: {  	[hbm4b:s0+s1] =	stream.linear.scatter [tilespmem:s21], [sflag:$0xC], $0x4000, $0x38;
	[tilespmem:$0x1CFA0] =	vst v63  }
0x1c9: {  	_ =	swait.ge [sflag:s18], $0x4000  }
0x1ca: {  	s0 =	sld [smem:$0x7F9]  }
0x1cb: {  	[sflag:s18] =	ssyncset.done $0x0  }
0x1cc: {  	[sflag:s18] =	ssyncadd.s32 $0xFFFFC000  }
0x1cd: {  	[tilespmem:s19], [sflag:$0x7] =	stream.indirect.gather [spmem:s2], $0x80, s0, s6, $0xb8;
	[tilespmem:$0x1CFA0] =	vst v63  }
0x1ce: {  	_ =	swait.ge [sflag:s24], $0x4000  }
0x1cf: {  	[sflag:s24] =	ssyncset.done $0x0  }
0x1d0: {  	s0 =	rddreg [dreg:$0x19];
	[sflag:s24] =	ssyncadd.s32 $0xFFFFC000  }
0x1d1: {  	[hbm4b:s0+s1] =	stream.linear.scatter [tilespmem:s20], [sflag:$0xD], $0x4000, $0x38;
	[tilespmem:$0x1CFA0] =	vst v63  }
0x1d2: {  	_ =	swait.ge [sflag:s8], $0x4000  }
0x1d3: {  	s0 =	sld [smem:$0x7FA]  }
0x1d4: {  	[sflag:s8] =	ssyncset.done $0x0  }
0x1d5: {  	[sflag:s8] =	ssyncadd.s32 $0xFFFFC000  }
0x1d6: {  	[tilespmem:s9], [sflag:$0x1] =	stream.indirect.gather [spmem:s2], $0x80, s0, s6, $0xb8;
	[tilespmem:$0x1CFA0] =	vst v63  }
0x1d7: {  	_ =	swait.ge [sflag:s23], $0x4000  }
0x1d8: {  	[sflag:s23] =	ssyncset.done $0x0  }
0x1d9: {  	s0 =	rddreg [dreg:$0x1a];
	[sflag:s23] =	ssyncadd.s32 $0xFFFFC000  }
0x1da: {  	[hbm4b:s0+s1] =	stream.linear.scatter [tilespmem:s19], [sflag:$0xE], $0x4000, $0x38;
	[tilespmem:$0x1CFA0] =	vst v63  }
0x1db: {  	_ =	swait.ge [sflag:s10], $0x4000  }
0x1dc: {  	s0 =	sld [smem:$0x7FB]  }
0x1dd: {  	[sflag:s10] =	ssyncset.done $0x0  }
0x1de: {  	[sflag:s10] =	ssyncadd.s32 $0xFFFFC000  }
0x1df: {  	[tilespmem:s7], [sflag:$0x2] =	stream.indirect.gather [spmem:s2], $0x80, s0, s6, $0xb8;
	[tilespmem:$0x1CFA0] =	vst v63  }
0x1e0: {  	_ =	swait.ge [sflag:s15], $0x4000  }
0x1e1: {  	[sflag:s15] =	ssyncset.done $0x0  }
0x1e2: {  	s0 =	rddreg [dreg:$0x1b];
	[sflag:s15] =	ssyncadd.s32 $0xFFFFC000  }
0x1e3: {  	[hbm4b:s0+s1] =	stream.linear.scatter [tilespmem:s9], [sflag:$0x8], $0x4000, $0x38;
	[tilespmem:$0x1CFA0] =	vst v63  }
0x1e4: {  	_ =	swait.ge [sflag:s11], $0x4000  }
0x1e5: {  	s0 =	sld [smem:$0x7FC]  }
0x1e6: {  	[sflag:s11] =	ssyncset.done $0x0  }
0x1e7: {  	[sflag:s11] =	ssyncadd.s32 $0xFFFFC000  }
0x1e8: {  	[tilespmem:s5], [sflag:$0x3] =	stream.indirect.gather [spmem:s2], $0x80, s0, s6, $0xb8;
	[tilespmem:$0x1CFA0] =	vst v63  }
0x1e9: {  	_ =	swait.ge [sflag:s4], $0x4000  }
0x1ea: {  	[sflag:s4] =	ssyncset.done $0x0  }
0x1eb: {  	s0 =	rddreg [dreg:$0x1c];
	[sflag:s4] =	ssyncadd.s32 $0xFFFFC000  }
0x1ec: {  	[hbm4b:s0+s1] =	stream.linear.scatter [tilespmem:s7], [sflag:$0x9], $0x4000, $0x38;
	[tilespmem:$0x1CFA0] =	vst v63  }
0x1ed: {  	_ =	swait.ge [sflag:s12], $0x4000  }
0x1ee: {  	s0 =	sld [smem:$0x7FD]  }
0x1ef: {  	[sflag:s12] =	ssyncset.done $0x0  }
0x1f0: {  	s22 =	simm.s32 $0xC00;
	[sflag:s12] =	ssyncadd.s32 $0xFFFFC000  }
0x1f1: {  	[tilespmem:s3], [sflag:$0x4] =	stream.indirect.gather [spmem:s2], $0x80, s22, s0, $0xb8;
	[tilespmem:$0x1CFA0] =	vst v63  }
0x1f2: {  	_ =	swait.ge [sflag:s14], $0x4000  }
0x1f3: {  	[sflag:s14] =	ssyncset.done $0x0  }
0x1f4: {  	s22 =	rddreg [dreg:$0x1d];
	[sflag:s14] =	ssyncadd.s32 $0xFFFFC000  }
0x1f5: {  	[hbm4b:s22+s1] =	stream.linear.scatter [tilespmem:s5], [sflag:$0xA], $0x4000, $0x38;
	[tilespmem:$0x1CFA0] =	vst v63  }
0x1f6: {  	_ =	swait.ge [sflag:s13], $0x2000  }
0x1f7: {  	[sflag:s13] =	ssyncset.done $0x0  }
0x1f8: {  	s22 =	rddreg [dreg:$0x1e];
	[sflag:s13] =	ssyncadd.s32 $0xFFFFE000  }
0x1f9: {  	[hbm4b:s22+s1] =	stream.linear.scatter [tilespmem:s3], [sflag:$0xB], $0x2000, $0x38;
	[tilespmem:$0x1CFA0] =	vst v63  }
0x1fa: {  	_ =	swait.ge [sflag:s16], $0x4000  }
0x1fb: {  	[sflag:s16] =	ssyncset.done $0x0  }
0x1fc: {  	[sflag:s16] =	ssyncadd.s32 $0xFFFFC000  }
0x1fd: {  	_ =	swait.ge [sflag:s17], $0x4000  }
0x1fe: {  	[sflag:s17] =	ssyncset.done $0x0  }
0x1ff: {  	[sflag:s17] =	ssyncadd.s32 $0xFFFFC000  }
0x200: {  	_ =	swait.ge [sflag:s18], $0x4000  }
0x201: {  	[sflag:s18] =	ssyncset.done $0x0  }
0x202: {  	[sflag:s18] =	ssyncadd.s32 $0xFFFFC000  }
0x203: {  	_ =	swait.ge [sflag:s8], $0x4000  }
0x204: {  	[sflag:s8] =	ssyncset.done $0x0  }
0x205: {  	[sflag:s8] =	ssyncadd.s32 $0xFFFFC000  }
0x206: {  	_ =	swait.ge [sflag:s10], $0x4000  }
0x207: {  	s31 =	sadd.s32 $0xFFFFFFFF, s31;
	[sflag:s10] =	ssyncset.done $0x0  }
0x208: {  	p2 =	sne.s32 s31, $0x0;
	[sflag:s10] =	ssyncadd.s32 $0xFFFFC000  }
.Ltmp2:
0x209: {  	_ =	swait.ge [sflag:s11], $0x4000;
	(pc) =	sbr.rel @p2 .LBB2_4-.Ltmp2, $4  }
0x20a: {  	[sflag:s11] =	ssyncset.done $0x0  }
0x20b: {  	[sflag:s11] =	ssyncadd.s32 $0xFFFFC000  }
0x20c: {  	_ =	swait.ge [sflag:s12], $0x2000  }
0x20d: {  	s0 =	rddreg [dreg:$0x6];
	[sflag:s12] =	ssyncset.done $0x0  }
0x20e: {  	s30 =	simm.s32 $0xC00;
	s29 =	rddreg [dreg:$0x4]  }
.LBB2_6:
0x20f: {  	[sflag:s12] =	ssyncadd.s32 @p1 $0xFFFFE000  }
0x210: {  	[tilespmem:s1], [sflag:$0x2] =	stream.linear.gather [hbm4b:s0+s1], $0xC40, $0x38;
	[tilespmem:$0x1CFA0] =	vst v63  }
0x211: {  	s22 =	rddreg [dreg:$0x5];
	s0 =	simm.s32 @!p0 $0x1C01  }
0x212: {  	[spmem:s28], [sflag:s0] =	dma.local @!p0 [hbm:s22], $0x640  }
0x213: {  	s0 =	simm.s32 @!p0 $0x1  }
0x214: {  	_ =	swait.ge @!p0 [sflag:s0], $0x640  }
0x215: {  	[sflag:s0] =	ssyncset.done @!p0 $0x0  }
0x216: {  	[sflag:s0] =	ssyncadd.s32 @!p0 $0xFFFFF9C0  }
0x217: {  	[bflag:$0x0] =	sbarrier.arrive $0xFFFF  }
0x218: {  	_ =	swait.ge [sflag:s4], $0xC40  }
0x219: {  	[sflag:s4] =	ssyncset.done $0x0  }
0x21a: {  	[sflag:s4] =	ssyncadd.s32 $0xFFFFF3C0  }
0x21b: {  	[tilespmem:s9], [sflag:$0x1] =	stream.indirect.gather [spmem:s2], $0x80, s1, s6, $0xb8;
	[tilespmem:$0x1CFA0] =	vst v63  }
0x21c: {  	s28 =	rddreg [dreg:$0x1f]  }
0x21d: {  	[tilespmem:s7], [sflag:$0x2] =	stream.indirect.gather [spmem:s2], $0x80, s6, s6, $0xb8;
	[tilespmem:$0x1CFA0] =	vst v63  }
0x21e: {  	s31 =	sld [smem:$0x7E8]  }
0x21f: {  	[tilespmem:s5], [sflag:$0x3] =	stream.indirect.gather [spmem:s2], $0x80, s28, s6, $0xb8;
	[tilespmem:$0x1CFA0] =	vst v63  }
0x220: {  	s28 =	sld [smem:$0x7E9]  }
0x221: {  	[tilespmem:s3], [sflag:$0x4] =	stream.indirect.gather [spmem:s2], $0x80, s31, s6, $0xb8;
	[tilespmem:$0x1CFA0] =	vst v63  }
0x222: {  	s31 =	sld [smem:$0x7EA]  }
0x223: {  	[tilespmem:s21], [sflag:$0x5] =	stream.indirect.gather [spmem:s2], $0x80, s28, s6, $0xb8;
	[tilespmem:$0x1CFA0] =	vst v63  }
0x224: {  	s28 =	sld [smem:$0x7EB]  }
0x225: {  	[tilespmem:s20], [sflag:$0x6] =	stream.indirect.gather [spmem:s2], $0x80, s31, s6, $0xb8;
	[tilespmem:$0x1CFA0] =	vst v63  }
0x226: {  	_ = 	snop  }
0x227: {  	[tilespmem:s19], [sflag:$0x7] =	stream.indirect.gather [spmem:s2], $0x80, s28, s6, $0xb8;
	[tilespmem:$0x1CFA0] =	vst v63  }
0x228: {  	_ =	swait.ge [sflag:s15], $0x4000  }
0x229: {  	[sflag:s15] =	ssyncset.done $0x0  }
0x22a: {  	[sflag:s15] =	ssyncadd.s32 $0xFFFFC000  }
0x22b: {  	[hbm4b:s26+s1] =	stream.linear.scatter [tilespmem:s9], [sflag:$0x8], $0x4000, $0x38;
	[tilespmem:$0x1CFA0] =	vst v63  }
0x22c: {  	_ =	swait.ge [sflag:s4], $0x4000  }
0x22d: {  	[sflag:s4] =	ssyncset.done $0x0  }
0x22e: {  	s31 =	rddreg [dreg:$0x7];
	[sflag:s4] =	ssyncadd.s32 $0xFFFFC000  }
0x22f: {  	[hbm4b:s31+s1] =	stream.linear.scatter [tilespmem:s7], [sflag:$0x9], $0x4000, $0x38;
	[tilespmem:$0x1CFA0] =	vst v63  }
0x230: {  	_ =	swait.ge [sflag:s14], $0x4000  }
0x231: {  	[sflag:s14] =	ssyncset.done $0x0  }
0x232: {  	s22 =	rddreg [dreg:$0x8];
	[sflag:s14] =	ssyncadd.s32 $0xFFFFC000  }
0x233: {  	[hbm4b:s22+s1] =	stream.linear.scatter [tilespmem:s5], [sflag:$0xA], $0x4000, $0x38;
	[tilespmem:$0x1CFA0] =	vst v63  }
0x234: {  	_ =	swait.ge [sflag:s13], $0x4000  }
0x235: {  	[sflag:s13] =	ssyncset.done $0x0  }
0x236: {  	s26 =	rddreg [dreg:$0x9];
	[sflag:s13] =	ssyncadd.s32 $0xFFFFC000  }
0x237: {  	[hbm4b:s26+s1] =	stream.linear.scatter [tilespmem:s3], [sflag:$0xB], $0x4000, $0x38;
	[tilespmem:$0x1CFA0] =	vst v63  }
0x238: {  	_ =	swait.ge [sflag:s25], $0x4000  }
0x239: {  	[sflag:s25] =	ssyncset.done $0x0  }
0x23a: {  	s28 =	rddreg [dreg:$0xa];
	[sflag:s25] =	ssyncadd.s32 $0xFFFFC000  }
0x23b: {  	[hbm4b:s28+s1] =	stream.linear.scatter [tilespmem:s21], [sflag:$0xC], $0x4000, $0x38;
	[tilespmem:$0x1CFA0] =	vst v63  }
0x23c: {  	_ =	swait.ge [sflag:s24], $0x4000  }
0x23d: {  	[sflag:s24] =	ssyncset.done $0x0  }
0x23e: {  	s31 =	rddreg [dreg:$0xb];
	[sflag:s24] =	ssyncadd.s32 $0xFFFFC000  }
0x23f: {  	[hbm4b:s31+s1] =	stream.linear.scatter [tilespmem:s20], [sflag:$0xD], $0x4000, $0x38;
	[tilespmem:$0x1CFA0] =	vst v63  }
0x240: {  	_ =	swait.ge [sflag:s8], $0x4000  }
0x241: {  	s22 =	sld [smem:$0x7EC]  }
0x242: {  	[sflag:s8] =	ssyncset.done $0x0  }
0x243: {  	[sflag:s8] =	ssyncadd.s32 $0xFFFFC000  }
0x244: {  	[tilespmem:s9], [sflag:$0x1] =	stream.indirect.gather [spmem:s2], $0x80, s22, s6, $0xb8;
	[tilespmem:$0x1CFA0] =	vst v63  }
0x245: {  	_ =	swait.ge [sflag:s23], $0x4000  }
0x246: {  	[sflag:s23] =	ssyncset.done $0x0  }
0x247: {  	s26 =	rddreg [dreg:$0xc];
	[sflag:s23] =	ssyncadd.s32 $0xFFFFC000  }
0x248: {  	[hbm4b:s26+s1] =	stream.linear.scatter [tilespmem:s19], [sflag:$0xE], $0x4000, $0x38;
	[tilespmem:$0x1CFA0] =	vst v63  }
0x249: {  	_ =	swait.ge [sflag:s10], $0x4000  }
0x24a: {  	s28 =	sld [smem:$0x7ED]  }
0x24b: {  	[sflag:s10] =	ssyncset.done $0x0  }
0x24c: {  	[sflag:s10] =	ssyncadd.s32 $0xFFFFC000  }
0x24d: {  	[tilespmem:s7], [sflag:$0x2] =	stream.indirect.gather [spmem:s2], $0x80, s28, s6, $0xb8;
	[tilespmem:$0x1CFA0] =	vst v63  }
0x24e: {  	_ =	swait.ge [sflag:s15], $0x4000  }
0x24f: {  	[sflag:s15] =	ssyncset.done $0x0  }
0x250: {  	s31 =	rddreg [dreg:$0xd];
	[sflag:s15] =	ssyncadd.s32 $0xFFFFC000  }
0x251: {  	[hbm4b:s31+s1] =	stream.linear.scatter [tilespmem:s9], [sflag:$0x8], $0x4000, $0x38;
	[tilespmem:$0x1CFA0] =	vst v63  }
0x252: {  	_ =	swait.ge [sflag:s11], $0x4000  }
0x253: {  	s22 =	sld [smem:$0x7EE]  }
0x254: {  	[sflag:s11] =	ssyncset.done $0x0  }
0x255: {  	[sflag:s11] =	ssyncadd.s32 $0xFFFFC000  }
0x256: {  	[tilespmem:s5], [sflag:$0x3] =	stream.indirect.gather [spmem:s2], $0x80, s22, s6, $0xb8;
	[tilespmem:$0x1CFA0] =	vst v63  }
0x257: {  	_ =	swait.ge [sflag:s4], $0x4000  }
0x258: {  	[sflag:s4] =	ssyncset.done $0x0  }
0x259: {  	s26 =	rddreg [dreg:$0xe];
	[sflag:s4] =	ssyncadd.s32 $0xFFFFC000  }
0x25a: {  	[hbm4b:s26+s1] =	stream.linear.scatter [tilespmem:s7], [sflag:$0x9], $0x4000, $0x38;
	[tilespmem:$0x1CFA0] =	vst v63  }
0x25b: {  	_ =	swait.ge [sflag:s12], $0x4000  }
0x25c: {  	s28 =	sld [smem:$0x7EF]  }
0x25d: {  	[sflag:s12] =	ssyncset.done $0x0  }
0x25e: {  	[sflag:s12] =	ssyncadd.s32 $0xFFFFC000  }
0x25f: {  	[tilespmem:s3], [sflag:$0x4] =	stream.indirect.gather [spmem:s2], $0x80, s28, s6, $0xb8;
	[tilespmem:$0x1CFA0] =	vst v63  }
0x260: {  	_ =	swait.ge [sflag:s14], $0x4000  }
0x261: {  	[sflag:s14] =	ssyncset.done $0x0  }
0x262: {  	s31 =	rddreg [dreg:$0xf];
	[sflag:s14] =	ssyncadd.s32 $0xFFFFC000  }
0x263: {  	[hbm4b:s31+s1] =	stream.linear.scatter [tilespmem:s5], [sflag:$0xA], $0x4000, $0x38;
	[tilespmem:$0x1CFA0] =	vst v63  }
0x264: {  	_ =	swait.ge [sflag:s16], $0x4000  }
0x265: {  	s22 =	sld [smem:$0x7F0]  }
0x266: {  	[sflag:s16] =	ssyncset.done $0x0  }
0x267: {  	[sflag:s16] =	ssyncadd.s32 $0xFFFFC000  }
0x268: {  	[tilespmem:s21], [sflag:$0x5] =	stream.indirect.gather [spmem:s2], $0x80, s22, s6, $0xb8;
	[tilespmem:$0x1CFA0] =	vst v63  }
0x269: {  	_ =	swait.ge [sflag:s13], $0x4000  }
0x26a: {  	[sflag:s13] =	ssyncset.done $0x0  }
0x26b: {  	s26 =	rddreg [dreg:$0x10];
	[sflag:s13] =	ssyncadd.s32 $0xFFFFC000  }
0x26c: {  	[hbm4b:s26+s1] =	stream.linear.scatter [tilespmem:s3], [sflag:$0xB], $0x4000, $0x38;
	[tilespmem:$0x1CFA0] =	vst v63  }
0x26d: {  	_ =	swait.ge [sflag:s17], $0x4000  }
0x26e: {  	s28 =	sld [smem:$0x7F1]  }
0x26f: {  	[sflag:s17] =	ssyncset.done $0x0  }
0x270: {  	[sflag:s17] =	ssyncadd.s32 $0xFFFFC000  }
0x271: {  	[tilespmem:s20], [sflag:$0x6] =	stream.indirect.gather [spmem:s2], $0x80, s28, s6, $0xb8;
	[tilespmem:$0x1CFA0] =	vst v63  }
0x272: {  	_ =	swait.ge [sflag:s25], $0x4000  }
0x273: {  	[sflag:s25] =	ssyncset.done $0x0  }
0x274: {  	s31 =	rddreg [dreg:$0x11];
	[sflag:s25] =	ssyncadd.s32 $0xFFFFC000  }
0x275: {  	[hbm4b:s31+s1] =	stream.linear.scatter [tilespmem:s21], [sflag:$0xC], $0x4000, $0x38;
	[tilespmem:$0x1CFA0] =	vst v63  }
0x276: {  	_ =	swait.ge [sflag:s18], $0x4000  }
0x277: {  	s22 =	sld [smem:$0x7F2]  }
0x278: {  	[sflag:s18] =	ssyncset.done $0x0  }
0x279: {  	[sflag:s18] =	ssyncadd.s32 $0xFFFFC000  }
0x27a: {  	[tilespmem:s19], [sflag:$0x7] =	stream.indirect.gather [spmem:s2], $0x80, s22, s6, $0xb8;
	[tilespmem:$0x1CFA0] =	vst v63  }
0x27b: {  	_ =	swait.ge [sflag:s24], $0x4000  }
0x27c: {  	[sflag:s24] =	ssyncset.done $0x0  }
0x27d: {  	s26 =	rddreg [dreg:$0x12];
	[sflag:s24] =	ssyncadd.s32 $0xFFFFC000  }
0x27e: {  	[hbm4b:s26+s1] =	stream.linear.scatter [tilespmem:s20], [sflag:$0xD], $0x4000, $0x38;
	[tilespmem:$0x1CFA0] =	vst v63  }
0x27f: {  	_ =	swait.ge [sflag:s8], $0x4000  }
0x280: {  	s28 =	sld [smem:$0x7F3]  }
0x281: {  	[sflag:s8] =	ssyncset.done $0x0  }
0x282: {  	[sflag:s8] =	ssyncadd.s32 $0xFFFFC000  }
0x283: {  	[tilespmem:s9], [sflag:$0x1] =	stream.indirect.gather [spmem:s2], $0x80, s28, s6, $0xb8;
	[tilespmem:$0x1CFA0] =	vst v63  }
0x284: {  	_ =	swait.ge [sflag:s23], $0x4000  }
0x285: {  	[sflag:s23] =	ssyncset.done $0x0  }
0x286: {  	s31 =	rddreg [dreg:$0x13];
	[sflag:s23] =	ssyncadd.s32 $0xFFFFC000  }
0x287: {  	[hbm4b:s31+s1] =	stream.linear.scatter [tilespmem:s19], [sflag:$0xE], $0x4000, $0x38;
	[tilespmem:$0x1CFA0] =	vst v63  }
0x288: {  	_ =	swait.ge [sflag:s10], $0x4000  }
0x289: {  	s22 =	sld [smem:$0x7F4]  }
0x28a: {  	[sflag:s10] =	ssyncset.done $0x0  }
0x28b: {  	[sflag:s10] =	ssyncadd.s32 $0xFFFFC000  }
0x28c: {  	[tilespmem:s7], [sflag:$0x2] =	stream.indirect.gather [spmem:s2], $0x80, s22, s6, $0xb8;
	[tilespmem:$0x1CFA0] =	vst v63  }
0x28d: {  	_ =	swait.ge [sflag:s15], $0x4000  }
0x28e: {  	[sflag:s15] =	ssyncset.done $0x0  }
0x28f: {  	s26 =	rddreg [dreg:$0x14];
	[sflag:s15] =	ssyncadd.s32 $0xFFFFC000  }
0x290: {  	[hbm4b:s26+s1] =	stream.linear.scatter [tilespmem:s9], [sflag:$0x8], $0x4000, $0x38;
	[tilespmem:$0x1CFA0] =	vst v63  }
0x291: {  	_ =	swait.ge [sflag:s11], $0x4000  }
0x292: {  	s28 =	sld [smem:$0x7F5]  }
0x293: {  	[sflag:s11] =	ssyncset.done $0x0  }
0x294: {  	[sflag:s11] =	ssyncadd.s32 $0xFFFFC000  }
0x295: {  	[tilespmem:s5], [sflag:$0x3] =	stream.indirect.gather [spmem:s2], $0x80, s28, s6, $0xb8;
	[tilespmem:$0x1CFA0] =	vst v63  }
0x296: {  	_ =	swait.ge [sflag:s4], $0x4000  }
0x297: {  	[sflag:s4] =	ssyncset.done $0x0  }
0x298: {  	s31 =	rddreg [dreg:$0x15];
	[sflag:s4] =	ssyncadd.s32 $0xFFFFC000  }
0x299: {  	[hbm4b:s31+s1] =	stream.linear.scatter [tilespmem:s7], [sflag:$0x9], $0x4000, $0x38;
	[tilespmem:$0x1CFA0] =	vst v63  }
0x29a: {  	_ =	swait.ge [sflag:s12], $0x4000  }
0x29b: {  	s22 =	sld [smem:$0x7F6]  }
0x29c: {  	[sflag:s12] =	ssyncset.done $0x0  }
0x29d: {  	[sflag:s12] =	ssyncadd.s32 $0xFFFFC000  }
0x29e: {  	[tilespmem:s3], [sflag:$0x4] =	stream.indirect.gather [spmem:s2], $0x80, s22, s6, $0xb8;
	[tilespmem:$0x1CFA0] =	vst v63  }
0x29f: {  	_ =	swait.ge [sflag:s14], $0x4000  }
0x2a0: {  	[sflag:s14] =	ssyncset.done $0x0  }
0x2a1: {  	s26 =	rddreg [dreg:$0x16];
	[sflag:s14] =	ssyncadd.s32 $0xFFFFC000  }
0x2a2: {  	[hbm4b:s26+s1] =	stream.linear.scatter [tilespmem:s5], [sflag:$0xA], $0x4000, $0x38;
	[tilespmem:$0x1CFA0] =	vst v63  }
0x2a3: {  	_ =	swait.ge [sflag:s16], $0x4000  }
0x2a4: {  	s28 =	sld [smem:$0x7F7]  }
0x2a5: {  	[sflag:s16] =	ssyncset.done $0x0  }
0x2a6: {  	[sflag:s16] =	ssyncadd.s32 $0xFFFFC000  }
0x2a7: {  	[tilespmem:s21], [sflag:$0x5] =	stream.indirect.gather [spmem:s2], $0x80, s28, s6, $0xb8;
	[tilespmem:$0x1CFA0] =	vst v63  }
0x2a8: {  	_ =	swait.ge [sflag:s13], $0x4000  }
0x2a9: {  	[sflag:s13] =	ssyncset.done $0x0  }
0x2aa: {  	s31 =	rddreg [dreg:$0x17];
	[sflag:s13] =	ssyncadd.s32 $0xFFFFC000  }
0x2ab: {  	[hbm4b:s31+s1] =	stream.linear.scatter [tilespmem:s3], [sflag:$0xB], $0x4000, $0x38;
	[tilespmem:$0x1CFA0] =	vst v63  }
0x2ac: {  	_ =	swait.ge [sflag:s17], $0x4000  }
0x2ad: {  	s22 =	sld [smem:$0x7F8]  }
0x2ae: {  	[sflag:s17] =	ssyncset.done $0x0  }
0x2af: {  	[sflag:s17] =	ssyncadd.s32 $0xFFFFC000  }
0x2b0: {  	[tilespmem:s20], [sflag:$0x6] =	stream.indirect.gather [spmem:s2], $0x80, s22, s6, $0xb8;
	[tilespmem:$0x1CFA0] =	vst v63  }
0x2b1: {  	_ =	swait.ge [sflag:s25], $0x4000  }
0x2b2: {  	[sflag:s25] =	ssyncset.done $0x0  }
0x2b3: {  	s26 =	rddreg [dreg:$0x18];
	[sflag:s25] =	ssyncadd.s32 $0xFFFFC000  }
0x2b4: {  	[hbm4b:s26+s1] =	stream.linear.scatter [tilespmem:s21], [sflag:$0xC], $0x4000, $0x38;
	[tilespmem:$0x1CFA0] =	vst v63  }
0x2b5: {  	_ =	swait.ge [sflag:s18], $0x4000  }
0x2b6: {  	s28 =	sld [smem:$0x7F9]  }
0x2b7: {  	[sflag:s18] =	ssyncset.done $0x0  }
0x2b8: {  	[sflag:s18] =	ssyncadd.s32 $0xFFFFC000  }
0x2b9: {  	[tilespmem:s19], [sflag:$0x7] =	stream.indirect.gather [spmem:s2], $0x80, s28, s6, $0xb8;
	[tilespmem:$0x1CFA0] =	vst v63  }
0x2ba: {  	_ =	swait.ge [sflag:s24], $0x4000  }
0x2bb: {  	[sflag:s24] =	ssyncset.done $0x0  }
0x2bc: {  	s31 =	rddreg [dreg:$0x19];
	[sflag:s24] =	ssyncadd.s32 $0xFFFFC000  }
0x2bd: {  	[hbm4b:s31+s1] =	stream.linear.scatter [tilespmem:s20], [sflag:$0xD], $0x4000, $0x38;
	[tilespmem:$0x1CFA0] =	vst v63  }
0x2be: {  	_ =	swait.ge [sflag:s8], $0x4000  }
0x2bf: {  	s21 =	sld [smem:$0x7FA]  }
0x2c0: {  	[sflag:s8] =	ssyncset.done $0x0  }
0x2c1: {  	[sflag:s8] =	ssyncadd.s32 $0xFFFFC000  }
0x2c2: {  	[tilespmem:s9], [sflag:$0x1] =	stream.indirect.gather [spmem:s2], $0x80, s21, s6, $0xb8;
	[tilespmem:$0x1CFA0] =	vst v63  }
0x2c3: {  	_ =	swait.ge [sflag:s23], $0x4000  }
0x2c4: {  	[sflag:s23] =	ssyncset.done $0x0  }
0x2c5: {  	s22 =	rddreg [dreg:$0x1a];
	[sflag:s23] =	ssyncadd.s32 $0xFFFFC000  }
0x2c6: {  	[hbm4b:s22+s1] =	stream.linear.scatter [tilespmem:s19], [sflag:$0xE], $0x4000, $0x38;
	[tilespmem:$0x1CFA0] =	vst v63  }
0x2c7: {  	_ =	swait.ge [sflag:s10], $0x4000  }
0x2c8: {  	s23 =	sld [smem:$0x7FB]  }
0x2c9: {  	[sflag:s10] =	ssyncset.done $0x0  }
0x2ca: {  	[sflag:s10] =	ssyncadd.s32 $0xFFFFC000  }
0x2cb: {  	[tilespmem:s7], [sflag:$0x2] =	stream.indirect.gather [spmem:s2], $0x80, s23, s6, $0xb8;
	[tilespmem:$0x1CFA0] =	vst v63  }
0x2cc: {  	_ =	swait.ge [sflag:s15], $0x4000  }
0x2cd: {  	[sflag:s15] =	ssyncset.done $0x0  }
0x2ce: {  	s24 =	rddreg [dreg:$0x1b];
	[sflag:s15] =	ssyncadd.s32 $0xFFFFC000  }
0x2cf: {  	[hbm4b:s24+s1] =	stream.linear.scatter [tilespmem:s9], [sflag:$0x8], $0x4000, $0x38;
	[tilespmem:$0x1CFA0] =	vst v63  }
0x2d0: {  	_ =	swait.ge [sflag:s11], $0x4000  }
0x2d1: {  	s25 =	sld [smem:$0x7FC]  }
0x2d2: {  	[sflag:s11] =	ssyncset.done $0x0  }
0x2d3: {  	[sflag:s11] =	ssyncadd.s32 $0xFFFFC000  }
0x2d4: {  	[tilespmem:s5], [sflag:$0x3] =	stream.indirect.gather [spmem:s2], $0x80, s25, s6, $0xb8;
	[tilespmem:$0x1CFA0] =	vst v63  }
0x2d5: {  	_ =	swait.ge [sflag:s4], $0x4000  }
0x2d6: {  	[sflag:s4] =	ssyncset.done $0x0  }
0x2d7: {  	s26 =	rddreg [dreg:$0x1c];
	[sflag:s4] =	ssyncadd.s32 $0xFFFFC000  }
0x2d8: {  	[hbm4b:s26+s1] =	stream.linear.scatter [tilespmem:s7], [sflag:$0x9], $0x4000, $0x38;
	[tilespmem:$0x1CFA0] =	vst v63  }
0x2d9: {  	_ =	swait.ge [sflag:s12], $0x4000  }
0x2da: {  	s28 =	sld [smem:$0x7FD]  }
0x2db: {  	[sflag:s12] =	ssyncset.done $0x0  }
0x2dc: {  	[sflag:s12] =	ssyncadd.s32 $0xFFFFC000  }
0x2dd: {  	[tilespmem:s3], [sflag:$0x4] =	stream.indirect.gather [spmem:s2], $0x80, s30, s28, $0xb8;
	[tilespmem:$0x1CFA0] =	vst v63  }
0x2de: {  	_ =	swait.ge [sflag:s14], $0x4000  }
0x2df: {  	[sflag:s14] =	ssyncset.done $0x0  }
0x2e0: {  	s30 =	rddreg [dreg:$0x1d];
	[sflag:s14] =	ssyncadd.s32 $0xFFFFC000  }
0x2e1: {  	[hbm4b:s30+s1] =	stream.linear.scatter [tilespmem:s5], [sflag:$0xA], $0x4000, $0x38;
	[tilespmem:$0x1CFA0] =	vst v63  }
0x2e2: {  	_ =	swait.ge [sflag:s13], $0x2000  }
0x2e3: {  	[sflag:s13] =	ssyncset.done $0x0  }
0x2e4: {  	s31 =	rddreg [dreg:$0x1e];
	[sflag:s13] =	ssyncadd.s32 $0xFFFFE000  }
0x2e5: {  	[hbm4b:s31+s1] =	stream.linear.scatter [tilespmem:s3], [sflag:$0xB], $0x2000, $0x38;
	[tilespmem:$0x1CFA0] =	vst v63  }
0x2e6: {  	_ =	swait.ge [sflag:s16], $0x4000  }
0x2e7: {  	[sflag:s16] =	ssyncset.done $0x0  }
0x2e8: {  	[sflag:s16] =	ssyncadd.s32 $0xFFFFC000  }
0x2e9: {  	_ =	swait.ge [sflag:s17], $0x4000  }
0x2ea: {  	[sflag:s17] =	ssyncset.done $0x0  }
0x2eb: {  	[sflag:s17] =	ssyncadd.s32 $0xFFFFC000  }
0x2ec: {  	_ =	swait.ge [sflag:s18], $0x4000  }
0x2ed: {  	[sflag:s18] =	ssyncset.done $0x0  }
0x2ee: {  	[sflag:s18] =	ssyncadd.s32 $0xFFFFC000  }
0x2ef: {  	_ =	swait.ge [sflag:s8], $0x4000  }
0x2f0: {  	[sflag:s8] =	ssyncset.done $0x0  }
0x2f1: {  	[sflag:s8] =	ssyncadd.s32 $0xFFFFC000  }
0x2f2: {  	_ =	swait.ge [sflag:s10], $0x4000  }
0x2f3: {  	[sflag:s10] =	ssyncset.done $0x0  }
0x2f4: {  	[sflag:s10] =	ssyncadd.s32 $0xFFFFC000  }
0x2f5: {  	_ =	swait.ge [sflag:s11], $0x4000  }
0x2f6: {  	[sflag:s11] =	ssyncset.done $0x0  }
0x2f7: {  	[sflag:s11] =	ssyncadd.s32 $0xFFFFC000  }
0x2f8: {  	_ =	swait.ge [sflag:s12], $0x2000  }
0x2f9: {  	[sflag:s12] =	ssyncset.done $0x0  }
0x2fa: {  	[sflag:s12] =	ssyncadd.s32 $0xFFFFE000  }
0x2fb: {  	_ =	sfence.sel $0x180000  }
0x2fc: {  	[bflag:$0x0] =	sbarrier.arrive $0xFFFF  }
0x2fd: {  	_ =	strace $0x90000047  }
0x2fe: {  	s0 =	sadd.s32 @!p0 $0x100000, s29;
	[bflag:$0x2] =	sbarrier.arrive $0xFFFF  }
0x2ff: {  	[sflag:s0] =	ssyncadd.tile.s32 @!p0 $0x1;
	_ =	shalt  }
.LBB2_1:
.Ltmp3:
0x300: {  	(pc) =	sbr.rel .LBB2_6-.Ltmp3, $2  }
0x301: {  	_ =	sdelay $0x2  }
0x302: {  	s30 =	simm.s32 $0xC00  }
.LBB2_3:
.Ltmp4:
0x303: {  	(pc) =	sbr.rel .LBB2_6-.Ltmp4, $2  }
0x304: {  	_ =	sdelay $0x2  }
0x305: {  	s30 =	simm.s32 $0xC00;
	s29 =	rddreg [dreg:$0x4]  }
.Lfunc_end2:
_tile_overlayer_lowered:
.L_overlay_start_2:
0x306: {  	(tag) =	ssettag $0x2  }
0x307: {  	s0 =	rddreg [dreg:$0x0];
	s2 =	stileid.u32  }
0x308: {  	s1 =	rddreg [dreg:$0x1];
	p0 =	sne.s32 s2, $0x0  }
0x309: {  	s3 =	rddreg [dreg:$0x2];
	[bflag:$0x3] =	sbarrier.arrive $0xFFFF;
	s2 =	simm.s32 @!p0 $0x1C0F  }
0x30a: {  	[timem:s3], [sflag:s2] =	dma.local @!p0 [hbm:s0], s1  }
0x30b: {  	s0 =	simm.s32 @!p0 $0xF  }
0x30c: {  	_ =	swait.ge @!p0 [sflag:s0], s1  }
0x30d: {  	s1 =	ssub.s32 @!p0 $0x0, s1;
	[sflag:s0] =	ssyncset.done @!p0 $0x0  }
0x30e: {  	[sflag:s0] =	ssyncadd.s32 @!p0 s1  }
0x30f: {  	[bflag:$0x3] =	sbarrier.arrive $0xFFFF  }
0x310: {  	_ =	shalt  }

</sc_bundles>
